<compile_context>
chip_gen: v7x
topology: tpu7x:2x2x1
jax: 0.10.2.dev20260603
libtpu: 0.0.44.dev20260713+nightly
codegen_flags: <defaults>
</compile_context>

<pallas_src>
import functools

import jax
import jax.numpy as jnp
from jax import lax
from jax.experimental import pallas as pl
from jax.experimental.pallas import tpu as pltpu
from jax.experimental.pallas import tpu_sc as plsc

_N = 10000
_E = 320000
_D = 128
_ALPHA = 0.5

_NTILES = 16
_EPT = _E // _NTILES
_CHUNK = 125
_NCHUNK = _EPT // _CHUNK
_SB = 32
_NPAD = 10240
_ZROWS = _NPAD // _NTILES

def _degree_body(ei_hbm, zeros_hbm, ones_hbm, deg_hbm, idx_v, ones_v, acc):
    c = lax.axis_index("c")
    s = lax.axis_index("s")
    pltpu.sync_copy(zeros_hbm.at[pl.ds(0, _ZROWS)], acc.at[pl.ds(s * _ZROWS, _ZROWS)])
    pltpu.sync_copy(ones_hbm, ones_v)
    pltpu.sync_copy(ei_hbm.at[c, s], idx_v)
    plsc.subcore_barrier()

    def body(j, carry):
        pltpu.sync_copy(ones_v, acc.at[idx_v.at[j]], add=True)
        return carry

    lax.fori_loop(0, _NCHUNK, body, 0)
    plsc.subcore_barrier()
    pltpu.sync_copy(acc.at[pl.ds(s * _ZROWS, _ZROWS)],
                    deg_hbm.at[c, pl.ds(s * _ZROWS, _ZROWS)])


def _proj_body(x_ref, wsrc_ref, wdst_ref, deg_ref, zsrc_ref, zdst_ref):
    i = pl.program_id(0)
    bm = x_ref.shape[0]
    xb = x_ref[...]
    dout = deg_ref[0, pl.ds(i * bm, bm)]
    din = deg_ref[1, pl.ds(i * bm, bm)]
    so = jnp.where(dout > 0, lax.rsqrt(dout), 0.0)
    si = jnp.where(din > 0, lax.rsqrt(din), 0.0)
    dims = (((1,), (1,)), ((), ()))
    ysrc = lax.dot_general(xb, wsrc_ref[...], dims, preferred_element_type=jnp.float32)
    ydst = lax.dot_general(xb, wdst_ref[...], dims, preferred_element_type=jnp.float32)
    zsrc_ref[...] = (_ALPHA * ysrc) * si[:, None]
    zdst_ref[...] = ((1.0 - _ALPHA) * ydst) * so[:, None]


def _project(x, w_src, w_dst, deg):
    bm = 2048
    grid = (pl.cdiv(_N, bm),)
    return pl.pallas_call(
        _proj_body,
        grid=grid,
        in_specs=[
            pl.BlockSpec((bm, _D), lambda i: (i, 0)),
            pl.BlockSpec((_D, _D), lambda i: (0, 0)),
            pl.BlockSpec((_D, _D), lambda i: (0, 0)),
            pl.BlockSpec((2, _NPAD), lambda i: (0, 0)),
        ],
        out_specs=[
            pl.BlockSpec((bm, _D), lambda i: (i, 0)),
            pl.BlockSpec((bm, _D), lambda i: (i, 0)),
        ],
        out_shape=[
            jax.ShapeDtypeStruct((_N, _D), jnp.float32),
            jax.ShapeDtypeStruct((_N, _D), jnp.float32),
        ],
    )(x, w_src, w_dst, deg)


def _agg_body(ei_hbm, zsrc_hbm, zdst_hbm, zeros_hbm, sf_hbm, sb_hbm,
              gidx_v, sidx_v, rows_v, acc, sem0, sem1):
    c = lax.axis_index("c")
    s = lax.axis_index("s")

    def run(table_hbm, out_hbm, gdir, sdir):
        pltpu.sync_copy(zeros_hbm, acc.at[pl.ds(s * _ZROWS, _ZROWS), :])
        plsc.subcore_barrier()

        def sb_body(b, carry):
            pltpu.sync_copy(ei_hbm.at[gdir, s, pl.ds(b * _SB, _SB)], gidx_v)
            pltpu.sync_copy(ei_hbm.at[sdir, s, pl.ds(b * _SB, _SB)], sidx_v)
            pltpu.async_copy(table_hbm.at[gidx_v.at[0]], rows_v.at[0], sem0)

            def body(j, carry2):
                cur = lax.rem(j, 2)
                nxt = lax.rem(j + 1, 2)
                @pl.when(cur == 0)
                def _():
                    pltpu.make_async_copy(table_hbm.at[gidx_v.at[j]], rows_v.at[0], sem0).wait()

                @pl.when(cur == 1)
                def _():
                    pltpu.make_async_copy(table_hbm.at[gidx_v.at[j]], rows_v.at[1], sem1).wait()

                @pl.when(jnp.logical_and(j + 1 < _SB, nxt == 0))
                def _():
                    pltpu.async_copy(table_hbm.at[gidx_v.at[j + 1]], rows_v.at[0], sem0)

                @pl.when(jnp.logical_and(j + 1 < _SB, nxt == 1))
                def _():
                    pltpu.async_copy(table_hbm.at[gidx_v.at[j + 1]], rows_v.at[1], sem1)

                @pl.when(cur == 0)
                def _():
                    pltpu.sync_copy(rows_v.at[0], acc.at[sidx_v.at[j]], add=True)

                @pl.when(cur == 1)
                def _():
                    pltpu.sync_copy(rows_v.at[1], acc.at[sidx_v.at[j]], add=True)

                return carry2

            lax.fori_loop(0, _SB, body, 0)
            return carry

        lax.fori_loop(0, _NCHUNK // _SB, sb_body, 0)
        plsc.subcore_barrier()
        pltpu.sync_copy(acc.at[pl.ds(s * _ZROWS, _ZROWS), :],
                        out_hbm.at[pl.ds(s * _ZROWS, _ZROWS), :])

    @pl.when(c == 0)
    def _():
        run(zsrc_hbm, sf_hbm, 1, 0)

    @pl.when(c == 1)
    def _():
        run(zdst_hbm, sb_hbm, 0, 1)


def _epi_body(sf_ref, sb_ref, deg_ref, bsrc_ref, bdst_ref, o_ref):
    i = pl.program_id(0)
    bm = sf_ref.shape[0]
    dout = deg_ref[0, pl.ds(i * bm, bm)]
    din = deg_ref[1, pl.ds(i * bm, bm)]
    so = jnp.where(dout > 0, lax.rsqrt(dout), 0.0)
    si = jnp.where(din > 0, lax.rsqrt(din), 0.0)
    bias = _ALPHA * bsrc_ref[...] + (1.0 - _ALPHA) * bdst_ref[...]
    o_ref[...] = sf_ref[...] * so[:, None] + sb_ref[...] * si[:, None] + bias


def _epilogue(sf, sb, deg, b_src, b_dst):
    bm = 2048
    grid = (pl.cdiv(_N, bm),)
    return pl.pallas_call(
        _epi_body,
        grid=grid,
        in_specs=[
            pl.BlockSpec((bm, _D), lambda i: (i, 0)),
            pl.BlockSpec((bm, _D), lambda i: (i, 0)),
            pl.BlockSpec((2, _NPAD), lambda i: (0, 0)),
            pl.BlockSpec((1, _D), lambda i: (0, 0)),
            pl.BlockSpec((1, _D), lambda i: (0, 0)),
        ],
        out_specs=pl.BlockSpec((bm, _D), lambda i: (i, 0)),
        out_shape=jax.ShapeDtypeStruct((_N, _D), jnp.float32),
    )(sf, sb, deg, b_src, b_dst)


@functools.cache
def _sc_kernels():
    mesh = plsc.VectorSubcoreMesh(core_axis_name="c", subcore_axis_name="s")
    degree_kernel = pl.kernel(
        _degree_body,
        mesh=mesh,
        out_type=jax.ShapeDtypeStruct((2, _NPAD), jnp.float32),
        scratch_types=[
            pltpu.VMEM((_NCHUNK, _CHUNK), jnp.int32),
            pltpu.VMEM((_CHUNK,), jnp.float32),
            pltpu.VMEM_SHARED((_NPAD,), jnp.float32),
        ],
    )
    agg_kernel = pl.kernel(
        _agg_body,
        mesh=mesh,
        out_type=[
            jax.ShapeDtypeStruct((_NPAD, _D), jnp.float32),
            jax.ShapeDtypeStruct((_NPAD, _D), jnp.float32),
        ],
        scratch_types=[
            pltpu.VMEM((_SB, _CHUNK), jnp.int32),
            pltpu.VMEM((_SB, _CHUNK), jnp.int32),
            pltpu.VMEM((2, _CHUNK, _D), jnp.float32),
            pltpu.VMEM_SHARED((_NPAD, _D), jnp.float32),
            pltpu.SemaphoreType.DMA,
            pltpu.SemaphoreType.DMA,
        ],
    )
    return degree_kernel, agg_kernel


def kernel(x, edge_index, W_src, b_src, W_dst, b_dst):
    degree_kernel, agg_kernel = _sc_kernels()
    ei = edge_index.astype(jnp.int32).reshape(2, _NTILES, _NCHUNK, _CHUNK)
    zeros1 = jnp.zeros((_NPAD,), jnp.float32)
    ones = jnp.ones((_CHUNK,), jnp.float32)
    zeros2 = jnp.zeros((_ZROWS, _D), jnp.float32)

    deg = degree_kernel(ei, zeros1, ones)
    z_src, z_dst = _project(x, W_src, W_dst, deg)
    s_fwd, s_bwd = agg_kernel(ei, z_src, z_dst, zeros2)
    return _epilogue(s_fwd, s_bwd, deg,
                     b_src.reshape(1, _D), b_dst.reshape(1, _D))

# --- scband reference (transcript-rebuilt; emitter-appended) ---
"""Pipeline reference for scband-dir-gcnconv-43611097924219 (READ-ONLY COPY).

The authoritative reference and input builder live on the scoring server;
editing this copy changes nothing except your own understanding.
"""

import jax, jax.numpy as jnp
import numpy as np

N = 10000
E = 320000
D_IN = 128
D_OUT = 128
ALPHA = 0.5


def setup_inputs(seed: int = 0) -> dict:
    key = jax.random.key(seed)
    ks = jax.random.split(key, 6)
    x = jax.random.normal(ks[0], (N, D_IN), dtype=jnp.float32)
    edge_index = jax.random.randint(ks[1], (2, E), 0, N)
    scale = 1.0 / np.sqrt(D_IN)
    W_src = jax.random.uniform(ks[2], (D_OUT, D_IN), dtype=jnp.float32, minval=-scale, maxval=scale)
    b_src = jax.random.uniform(ks[3], (D_OUT,), dtype=jnp.float32, minval=-scale, maxval=scale)
    W_dst = jax.random.uniform(ks[4], (D_OUT, D_IN), dtype=jnp.float32, minval=-scale, maxval=scale)
    b_dst = jax.random.uniform(ks[5], (D_OUT,), dtype=jnp.float32, minval=-scale, maxval=scale)
    return {"x": x, "edge_index": edge_index, "W_src": W_src, "b_src": b_src, "W_dst": W_dst, "b_dst": b_dst}


def _dir_gcn(x, edge_index, W_src, b_src, W_dst, b_dst):
    row = edge_index[0]
    col = edge_index[1]
    ones = jnp.ones((E,), dtype=jnp.float32)
    # out-degree per source node (row sums of A), in-degree per dest node (col sums of A)
    out_deg = jax.ops.segment_sum(ones, row, num_segments=N)
    in_deg = jax.ops.segment_sum(ones, col, num_segments=N)
    out_inv_sqrt = jnp.where(out_deg > 0, out_deg ** -0.5, 0.0)
    in_inv_sqrt = jnp.where(in_deg > 0, in_deg ** -0.5, 0.0)
    # D_out^{-1/2} A D_in^{-1/2}: per-edge weight (same weights apply to A and A^T)
    w = out_inv_sqrt[row] * in_inv_sqrt[col]
    # adj_norm @ x : aggregate x[col] into row
    agg_fwd = jax.ops.segment_sum(w[:, None] * x[col], row, num_segments=N)
    # adj_t_norm @ x : aggregate x[row] into col
    agg_bwd = jax.ops.segment_sum(w[:, None] * x[row], col, num_segments=N)
    src_to_dst = agg_fwd @ W_src.T + b_src
    dst_to_src = agg_bwd @ W_dst.T + b_dst
    return ALPHA * src_to_dst + (1.0 - ALPHA) * dst_to_src


def reference(x, edge_index, W_src, b_src, W_dst, b_dst):
    return _dir_gcn(x, edge_index, W_src, b_src, W_dst, b_dst)

if __name__ == "__main__":
    import jax
    _d = setup_inputs()
    print(jax.jit(kernel)(*tuple(_d.values())))

</pallas_src>

<mosaic_0001>
#map = affine_map<(d0, d1) -> (0, 0, 0, 0)>
#map1 = affine_map<(d0, d1) -> (0, 0)>
module attributes {stable_mosaic.version = 14 : i64} {
  func.func @_agg_body(%arg0: i32, %arg1: i32, %arg2: memref<2x16x160x125xi32, #tpu.memory_space<hbm>>, %arg3: memref<10000x128xf32, #tpu.memory_space<hbm>>, %arg4: memref<10000x128xf32, #tpu.memory_space<hbm>>, %arg5: memref<640x128xf32, #tpu.memory_space<hbm>>, %arg6: memref<10240x128xf32, #tpu.memory_space<hbm>>, %arg7: memref<10240x128xf32, #tpu.memory_space<hbm>>, %arg8: memref<32x125xi32, #tpu.memory_space<vmem>>, %arg9: memref<32x125xi32, #tpu.memory_space<vmem>>, %arg10: memref<2x125x128xf32, #tpu.memory_space<vmem>>, %arg11: memref<10240x128xf32, #tpu.memory_space<vmem_shared>>, %arg12: memref<!tpu.dma_semaphore, #tpu.memory_space<semaphore_mem>>, %arg13: memref<!tpu.dma_semaphore, #tpu.memory_space<semaphore_mem>>) attributes {dimension_semantics = [#tpu.dimension_semantics<core_parallel>, #tpu.dimension_semantics<subcore_parallel>], iteration_bounds = array<i64: 2, 16>, scalar_prefetch = 0 : i64, scratch_operands = 6 : i64, tpu.core_type = #tpu.core_type<sc_vector_subcore>, window_params = [{transform_indices = #map}, {transform_indices = #map1}, {transform_indices = #map1}, {transform_indices = #map1}, {transform_indices = #map1}, {transform_indices = #map1}]} {
    %eq3A = arith.constant 0 : i32
    %eq3A_0 = arith.cmpi eq, %arg0, %eq3A : i32
    %convert_element_type3A = arith.extui %eq3A_0 : i1 to i32
    %cond3A = arith.constant 0 : i32
    %cond3A_1 = arith.cmpi ne, %convert_element_type3A, %cond3A : i32
    scf.if %cond3A_1 {
      %mul3A = arith.constant 640 : i32
      %mul3A_7 = arith.muli %arg1, %mul3A : i32
      "tpu.region"() ({
        %run_scoped3A = tpu.sem_alloc : memref<!tpu.dma_semaphore, #tpu.memory_space<semaphore_mem>>
        %dma_start3A = arith.constant 0 : i32
        %dma_start3A_18 = tpu.memref_slice %arg11[%mul3A_7, %dma_start3A] : memref<10240x128xf32, #tpu.memory_space<vmem_shared>> -> memref<640x128xf32, #tpu.memory_space<vmem_shared>>
        tpu.enqueue_dma source(%arg5 : memref<640x128xf32, #tpu.memory_space<hbm>>) target(%dma_start3A_18 : memref<640x128xf32, #tpu.memory_space<vmem_shared>>) target_semaphore(%run_scoped3A : memref<!tpu.dma_semaphore, #tpu.memory_space<semaphore_mem>>)
        %dma_wait3A = arith.constant 0 : i32
        %dma_wait3A_19 = tpu.memref_slice %arg11[%mul3A_7, %dma_wait3A] : memref<10240x128xf32, #tpu.memory_space<vmem_shared>> -> memref<640x128xf32, #tpu.memory_space<vmem_shared>>
        tpu.wait_dma2 semaphore(%run_scoped3A : memref<!tpu.dma_semaphore, #tpu.memory_space<semaphore_mem>>) src(%arg5 : memref<640x128xf32, #tpu.memory_space<hbm>>) dst(%dma_wait3A_19 : memref<640x128xf32, #tpu.memory_space<vmem_shared>>)
        tpu.yield
      }) : () -> ()
      %barrier3A = arith.constant 0 : index
      tpu.barrier barrier_id(%barrier3A)
      %scan3A = arith.constant 0 : i32
      %scan3A_8 = arith.constant 0 : i32
      %scan3A_9 = arith.constant 5 : i32
      %scan3A_10 = arith.addi %scan3A_8, %scan3A_9 : i32
      %scan3A_11 = arith.constant 1 : i32
      scf.for %scan3A_18 = %scan3A_8 to %scan3A_10 step %scan3A_11  : i32 {
        %mul3A_19 = arith.constant 32 : i32
        %mul3A_20 = arith.muli %scan3A_18, %mul3A_19 : i32
        %run_scoped3A = arith.constant 1 : i32
        "tpu.region"() ({
          %run_scoped3A_41 = tpu.sem_alloc : memref<!tpu.dma_semaphore, #tpu.memory_space<semaphore_mem>>
          %dma_start3A_42 = arith.constant 0 : i32
          %dma_start3A_43 = tpu.memref_slice %arg2[%run_scoped3A, %arg1, %mul3A_20, %dma_start3A_42] : memref<2x16x160x125xi32, #tpu.memory_space<hbm>> -> memref<1x1x32x125xi32, #tpu.memory_space<hbm>>
          %dma_start3A_44 = tpu.memref_squeeze %dma_start3A_43 : memref<1x1x32x125xi32, #tpu.memory_space<hbm>> -> memref<32x125xi32, #tpu.memory_space<hbm>>
          %dma_start3A_45 = arith.constant 0 : i32
          %dma_start3A_46 = tpu.memref_slice %arg2[%run_scoped3A, %arg1, %mul3A_20, %dma_start3A_45] : memref<2x16x160x125xi32, #tpu.memory_space<hbm>> -> memref<1x1x32x125xi32, #tpu.memory_space<hbm>>
          %dma_start3A_47 = tpu.memref_squeeze %dma_start3A_46 : memref<1x1x32x125xi32, #tpu.memory_space<hbm>> -> memref<32x125xi32, #tpu.memory_space<hbm>>
          tpu.enqueue_dma source(%dma_start3A_47 : memref<32x125xi32, #tpu.memory_space<hbm>>) target(%arg8 : memref<32x125xi32, #tpu.memory_space<vmem>>) target_semaphore(%run_scoped3A_41 : memref<!tpu.dma_semaphore, #tpu.memory_space<semaphore_mem>>)
          %dma_wait3A = arith.constant 0 : i32
          %dma_wait3A_48 = tpu.memref_slice %arg2[%run_scoped3A, %arg1, %mul3A_20, %dma_wait3A] : memref<2x16x160x125xi32, #tpu.memory_space<hbm>> -> memref<1x1x32x125xi32, #tpu.memory_space<hbm>>
          %dma_wait3A_49 = tpu.memref_squeeze %dma_wait3A_48 : memref<1x1x32x125xi32, #tpu.memory_space<hbm>> -> memref<32x125xi32, #tpu.memory_space<hbm>>
          %dma_wait3A_50 = arith.constant 0 : i32
          %dma_wait3A_51 = tpu.memref_slice %arg2[%run_scoped3A, %arg1, %mul3A_20, %dma_wait3A_50] : memref<2x16x160x125xi32, #tpu.memory_space<hbm>> -> memref<1x1x32x125xi32, #tpu.memory_space<hbm>>
          %dma_wait3A_52 = tpu.memref_squeeze %dma_wait3A_51 : memref<1x1x32x125xi32, #tpu.memory_space<hbm>> -> memref<32x125xi32, #tpu.memory_space<hbm>>
          tpu.wait_dma2 semaphore(%run_scoped3A_41 : memref<!tpu.dma_semaphore, #tpu.memory_space<semaphore_mem>>) src(%dma_wait3A_52 : memref<32x125xi32, #tpu.memory_space<hbm>>) dst(%arg8 : memref<32x125xi32, #tpu.memory_space<vmem>>)
          tpu.yield
        }) : () -> ()
        %mul3A_21 = arith.constant 32 : i32
        %mul3A_22 = arith.muli %scan3A_18, %mul3A_21 : i32
        %run_scoped3A_23 = arith.constant 0 : i32
        "tpu.region"() ({
          %run_scoped3A_41 = tpu.sem_alloc : memref<!tpu.dma_semaphore, #tpu.memory_space<semaphore_mem>>
          %dma_start3A_42 = arith.constant 0 : i32
          %dma_start3A_43 = tpu.memref_slice %arg2[%run_scoped3A_23, %arg1, %mul3A_22, %dma_start3A_42] : memref<2x16x160x125xi32, #tpu.memory_space<hbm>> -> memref<1x1x32x125xi32, #tpu.memory_space<hbm>>
          %dma_start3A_44 = tpu.memref_squeeze %dma_start3A_43 : memref<1x1x32x125xi32, #tpu.memory_space<hbm>> -> memref<32x125xi32, #tpu.memory_space<hbm>>
          %dma_start3A_45 = arith.constant 0 : i32
          %dma_start3A_46 = tpu.memref_slice %arg2[%run_scoped3A_23, %arg1, %mul3A_22, %dma_start3A_45] : memref<2x16x160x125xi32, #tpu.memory_space<hbm>> -> memref<1x1x32x125xi32, #tpu.memory_space<hbm>>
          %dma_start3A_47 = tpu.memref_squeeze %dma_start3A_46 : memref<1x1x32x125xi32, #tpu.memory_space<hbm>> -> memref<32x125xi32, #tpu.memory_space<hbm>>
          tpu.enqueue_dma source(%dma_start3A_47 : memref<32x125xi32, #tpu.memory_space<hbm>>) target(%arg9 : memref<32x125xi32, #tpu.memory_space<vmem>>) target_semaphore(%run_scoped3A_41 : memref<!tpu.dma_semaphore, #tpu.memory_space<semaphore_mem>>)
          %dma_wait3A = arith.constant 0 : i32
          %dma_wait3A_48 = tpu.memref_slice %arg2[%run_scoped3A_23, %arg1, %mul3A_22, %dma_wait3A] : memref<2x16x160x125xi32, #tpu.memory_space<hbm>> -> memref<1x1x32x125xi32, #tpu.memory_space<hbm>>
          %dma_wait3A_49 = tpu.memref_squeeze %dma_wait3A_48 : memref<1x1x32x125xi32, #tpu.memory_space<hbm>> -> memref<32x125xi32, #tpu.memory_space<hbm>>
          %dma_wait3A_50 = arith.constant 0 : i32
          %dma_wait3A_51 = tpu.memref_slice %arg2[%run_scoped3A_23, %arg1, %mul3A_22, %dma_wait3A_50] : memref<2x16x160x125xi32, #tpu.memory_space<hbm>> -> memref<1x1x32x125xi32, #tpu.memory_space<hbm>>
          %dma_wait3A_52 = tpu.memref_squeeze %dma_wait3A_51 : memref<1x1x32x125xi32, #tpu.memory_space<hbm>> -> memref<32x125xi32, #tpu.memory_space<hbm>>
          tpu.wait_dma2 semaphore(%run_scoped3A_41 : memref<!tpu.dma_semaphore, #tpu.memory_space<semaphore_mem>>) src(%dma_wait3A_52 : memref<32x125xi32, #tpu.memory_space<hbm>>) dst(%arg9 : memref<32x125xi32, #tpu.memory_space<vmem>>)
          tpu.yield
        }) : () -> ()
        %dma_start3A = arith.constant 0 : i32
        %dma_start3A_24 = arith.constant 0 : i32
        %dma_start3A_25 = arith.constant 0 : i32
        %dma_start3A_26 = arith.constant 0 : i32
        %dma_start3A_27 = tpu.memref_slice %arg10[%dma_start3A_24, %dma_start3A_25, %dma_start3A_26] : memref<2x125x128xf32, #tpu.memory_space<vmem>> -> memref<1x125x128xf32, #tpu.memory_space<vmem>>
        %dma_start3A_28 = tpu.memref_squeeze %dma_start3A_27 : memref<1x125x128xf32, #tpu.memory_space<vmem>> -> memref<125x128xf32, #tpu.memory_space<vmem>>
        %dma_start3A_29 = arith.constant 0 : i32
        %dma_start3A_30 = tpu.memref_slice %arg8[%dma_start3A, %dma_start3A_29] : memref<32x125xi32, #tpu.memory_space<vmem>> -> memref<1x125xi32, #tpu.memory_space<vmem>>
        %dma_start3A_31 = tpu.memref_squeeze %dma_start3A_30 : memref<1x125xi32, #tpu.memory_space<vmem>> -> memref<125xi32, #tpu.memory_space<vmem>>
        %dma_start3A_32 = arith.constant 0 : i32
        %dma_start3A_33 = arith.constant 0 : i32
        %dma_start3A_34 = tpu.memref_slice %arg3[%dma_start3A_32, %dma_start3A_33] : memref<10000x128xf32, #tpu.memory_space<hbm>> -> memref<10000x128xf32, #tpu.memory_space<hbm>>
        tpu.enqueue_indirect_dma source(%dma_start3A_34 : memref<10000x128xf32, #tpu.memory_space<hbm>>) target(%dma_start3A_28 : memref<125x128xf32, #tpu.memory_space<vmem>>) offsets(%dma_start3A_31 : memref<125xi32, #tpu.memory_space<vmem>>) semaphore(%arg12 : memref<!tpu.dma_semaphore, #tpu.memory_space<semaphore_mem>>)
        %scan3A_35 = arith.constant 0 : i32
        %scan3A_36 = arith.constant 0 : i32
        %scan3A_37 = arith.constant 32 : i32
        %scan3A_38 = arith.addi %scan3A_36, %scan3A_37 : i32
        %scan3A_39 = arith.constant 1 : i32
        scf.for %scan3A_41 = %scan3A_36 to %scan3A_38 step %scan3A_39  : i32 {
          %rem3A = arith.constant 2 : i32
          %rem3A_42 = arith.remsi %scan3A_41, %rem3A : i32
          %add3A = arith.constant 1 : i32
          %add3A_43 = arith.addi %scan3A_41, %add3A : i32
          %rem3A_44 = arith.constant 2 : i32
          %rem3A_45 = arith.remsi %add3A_43, %rem3A_44 : i32
          %eq3A_46 = arith.constant 0 : i32
          %eq3A_47 = arith.cmpi eq, %rem3A_42, %eq3A_46 : i32
          %convert_element_type3A_48 = arith.extui %eq3A_47 : i1 to i32
          %cond3A_49 = arith.constant 0 : i32
          %cond3A_50 = arith.cmpi ne, %convert_element_type3A_48, %cond3A_49 : i32
          scf.if %cond3A_50 {
            %dma_wait3A = arith.constant 0 : i32
            %dma_wait3A_84 = arith.constant 0 : i32
            %dma_wait3A_85 = arith.constant 0 : i32
            %dma_wait3A_86 = tpu.memref_slice %arg10[%dma_wait3A, %dma_wait3A_84, %dma_wait3A_85] : memref<2x125x128xf32, #tpu.memory_space<vmem>> -> memref<1x125x128xf32, #tpu.memory_space<vmem>>
            %dma_wait3A_87 = tpu.memref_squeeze %dma_wait3A_86 : memref<1x125x128xf32, #tpu.memory_space<vmem>> -> memref<125x128xf32, #tpu.memory_space<vmem>>
            %dma_wait3A_88 = arith.constant 0 : i32
            %dma_wait3A_89 = tpu.memref_slice %arg8[%scan3A_41, %dma_wait3A_88] : memref<32x125xi32, #tpu.memory_space<vmem>> -> memref<1x125xi32, #tpu.memory_space<vmem>>
            %dma_wait3A_90 = tpu.memref_squeeze %dma_wait3A_89 : memref<1x125xi32, #tpu.memory_space<vmem>> -> memref<125xi32, #tpu.memory_space<vmem>>
            %dma_wait3A_91 = arith.constant 0 : i32
            %dma_wait3A_92 = arith.constant 0 : i32
            %dma_wait3A_93 = tpu.memref_slice %arg3[%dma_wait3A_91, %dma_wait3A_92] : memref<10000x128xf32, #tpu.memory_space<hbm>> -> memref<10000x128xf32, #tpu.memory_space<hbm>>
            tpu.wait_indirect_dma semaphore(%arg12 : memref<!tpu.dma_semaphore, #tpu.memory_space<semaphore_mem>>) src(%dma_wait3A_93 : memref<10000x128xf32, #tpu.memory_space<hbm>>) dst(%dma_wait3A_87 : memref<125x128xf32, #tpu.memory_space<vmem>>)
          } else {
          }
          %eq3A_51 = arith.constant 1 : i32
          %eq3A_52 = arith.cmpi eq, %rem3A_42, %eq3A_51 : i32
          %convert_element_type3A_53 = arith.extui %eq3A_52 : i1 to i32
          %cond3A_54 = arith.constant 0 : i32
          %cond3A_55 = arith.cmpi ne, %convert_element_type3A_53, %cond3A_54 : i32
          scf.if %cond3A_55 {
            %dma_wait3A = arith.constant 1 : i32
            %dma_wait3A_84 = arith.constant 0 : i32
            %dma_wait3A_85 = arith.constant 0 : i32
            %dma_wait3A_86 = tpu.memref_slice %arg10[%dma_wait3A, %dma_wait3A_84, %dma_wait3A_85] : memref<2x125x128xf32, #tpu.memory_space<vmem>> -> memref<1x125x128xf32, #tpu.memory_space<vmem>>
            %dma_wait3A_87 = tpu.memref_squeeze %dma_wait3A_86 : memref<1x125x128xf32, #tpu.memory_space<vmem>> -> memref<125x128xf32, #tpu.memory_space<vmem>>
            %dma_wait3A_88 = arith.constant 0 : i32
            %dma_wait3A_89 = tpu.memref_slice %arg8[%scan3A_41, %dma_wait3A_88] : memref<32x125xi32, #tpu.memory_space<vmem>> -> memref<1x125xi32, #tpu.memory_space<vmem>>
            %dma_wait3A_90 = tpu.memref_squeeze %dma_wait3A_89 : memref<1x125xi32, #tpu.memory_space<vmem>> -> memref<125xi32, #tpu.memory_space<vmem>>
            %dma_wait3A_91 = arith.constant 0 : i32
            %dma_wait3A_92 = arith.constant 0 : i32
            %dma_wait3A_93 = tpu.memref_slice %arg3[%dma_wait3A_91, %dma_wait3A_92] : memref<10000x128xf32, #tpu.memory_space<hbm>> -> memref<10000x128xf32, #tpu.memory_space<hbm>>
            tpu.wait_indirect_dma semaphore(%arg13 : memref<!tpu.dma_semaphore, #tpu.memory_space<semaphore_mem>>) src(%dma_wait3A_93 : memref<10000x128xf32, #tpu.memory_space<hbm>>) dst(%dma_wait3A_87 : memref<125x128xf32, #tpu.memory_space<vmem>>)
          } else {
          }
          %add3A_56 = arith.constant 1 : i32
          %add3A_57 = arith.addi %scan3A_41, %add3A_56 : i32
          %lt3A = arith.constant 32 : i32
          %lt3A_58 = arith.cmpi slt, %add3A_57, %lt3A : i32
          %eq3A_59 = arith.constant 0 : i32
          %eq3A_60 = arith.cmpi eq, %rem3A_45, %eq3A_59 : i32
          %and3A = arith.andi %lt3A_58, %eq3A_60 : i1
          %convert_element_type3A_61 = arith.extui %and3A : i1 to i32
          %cond3A_62 = arith.constant 0 : i32
          %cond3A_63 = arith.cmpi ne, %convert_element_type3A_61, %cond3A_62 : i32
          scf.if %cond3A_63 {
            %add3A_84 = arith.constant 1 : i32
            %add3A_85 = arith.addi %scan3A_41, %add3A_84 : i32
            %dma_start3A_86 = arith.constant 0 : i32
            %dma_start3A_87 = arith.constant 0 : i32
            %dma_start3A_88 = arith.constant 0 : i32
            %dma_start3A_89 = tpu.memref_slice %arg10[%dma_start3A_86, %dma_start3A_87, %dma_start3A_88] : memref<2x125x128xf32, #tpu.memory_space<vmem>> -> memref<1x125x128xf32, #tpu.memory_space<vmem>>
            %dma_start3A_90 = tpu.memref_squeeze %dma_start3A_89 : memref<1x125x128xf32, #tpu.memory_space<vmem>> -> memref<125x128xf32, #tpu.memory_space<vmem>>
            %dma_start3A_91 = arith.constant 0 : i32
            %dma_start3A_92 = tpu.memref_slice %arg8[%add3A_85, %dma_start3A_91] : memref<32x125xi32, #tpu.memory_space<vmem>> -> memref<1x125xi32, #tpu.memory_space<vmem>>
            %dma_start3A_93 = tpu.memref_squeeze %dma_start3A_92 : memref<1x125xi32, #tpu.memory_space<vmem>> -> memref<125xi32, #tpu.memory_space<vmem>>
            %dma_start3A_94 = arith.constant 0 : i32
            %dma_start3A_95 = arith.constant 0 : i32
            %dma_start3A_96 = tpu.memref_slice %arg3[%dma_start3A_94, %dma_start3A_95] : memref<10000x128xf32, #tpu.memory_space<hbm>> -> memref<10000x128xf32, #tpu.memory_space<hbm>>
            tpu.enqueue_indirect_dma source(%dma_start3A_96 : memref<10000x128xf32, #tpu.memory_space<hbm>>) target(%dma_start3A_90 : memref<125x128xf32, #tpu.memory_space<vmem>>) offsets(%dma_start3A_93 : memref<125xi32, #tpu.memory_space<vmem>>) semaphore(%arg12 : memref<!tpu.dma_semaphore, #tpu.memory_space<semaphore_mem>>)
          } else {
          }
          %add3A_64 = arith.constant 1 : i32
          %add3A_65 = arith.addi %scan3A_41, %add3A_64 : i32
          %lt3A_66 = arith.constant 32 : i32
          %lt3A_67 = arith.cmpi slt, %add3A_65, %lt3A_66 : i32
          %eq3A_68 = arith.constant 1 : i32
          %eq3A_69 = arith.cmpi eq, %rem3A_45, %eq3A_68 : i32
          %and3A_70 = arith.andi %lt3A_67, %eq3A_69 : i1
          %convert_element_type3A_71 = arith.extui %and3A_70 : i1 to i32
          %cond3A_72 = arith.constant 0 : i32
          %cond3A_73 = arith.cmpi ne, %convert_element_type3A_71, %cond3A_72 : i32
          scf.if %cond3A_73 {
            %add3A_84 = arith.constant 1 : i32
            %add3A_85 = arith.addi %scan3A_41, %add3A_84 : i32
            %dma_start3A_86 = arith.constant 1 : i32
            %dma_start3A_87 = arith.constant 0 : i32
            %dma_start3A_88 = arith.constant 0 : i32
            %dma_start3A_89 = tpu.memref_slice %arg10[%dma_start3A_86, %dma_start3A_87, %dma_start3A_88] : memref<2x125x128xf32, #tpu.memory_space<vmem>> -> memref<1x125x128xf32, #tpu.memory_space<vmem>>
            %dma_start3A_90 = tpu.memref_squeeze %dma_start3A_89 : memref<1x125x128xf32, #tpu.memory_space<vmem>> -> memref<125x128xf32, #tpu.memory_space<vmem>>
            %dma_start3A_91 = arith.constant 0 : i32
            %dma_start3A_92 = tpu.memref_slice %arg8[%add3A_85, %dma_start3A_91] : memref<32x125xi32, #tpu.memory_space<vmem>> -> memref<1x125xi32, #tpu.memory_space<vmem>>
            %dma_start3A_93 = tpu.memref_squeeze %dma_start3A_92 : memref<1x125xi32, #tpu.memory_space<vmem>> -> memref<125xi32, #tpu.memory_space<vmem>>
            %dma_start3A_94 = arith.constant 0 : i32
            %dma_start3A_95 = arith.constant 0 : i32
            %dma_start3A_96 = tpu.memref_slice %arg3[%dma_start3A_94, %dma_start3A_95] : memref<10000x128xf32, #tpu.memory_space<hbm>> -> memref<10000x128xf32, #tpu.memory_space<hbm>>
            tpu.enqueue_indirect_dma source(%dma_start3A_96 : memref<10000x128xf32, #tpu.memory_space<hbm>>) target(%dma_start3A_90 : memref<125x128xf32, #tpu.memory_space<vmem>>) offsets(%dma_start3A_93 : memref<125xi32, #tpu.memory_space<vmem>>) semaphore(%arg13 : memref<!tpu.dma_semaphore, #tpu.memory_space<semaphore_mem>>)
          } else {
          }
          %eq3A_74 = arith.constant 0 : i32
          %eq3A_75 = arith.cmpi eq, %rem3A_42, %eq3A_74 : i32
          %convert_element_type3A_76 = arith.extui %eq3A_75 : i1 to i32
          %cond3A_77 = arith.constant 0 : i32
          %cond3A_78 = arith.cmpi ne, %convert_element_type3A_76, %cond3A_77 : i32
          scf.if %cond3A_78 {
            %run_scoped3A_84 = arith.constant 0 : i32
            "tpu.region"() ({
              %run_scoped3A_85 = tpu.sem_alloc : memref<!tpu.dma_semaphore, #tpu.memory_space<semaphore_mem>>
              %dma_start3A_86 = arith.constant 0 : i32
              %dma_start3A_87 = arith.constant 0 : i32
              %dma_start3A_88 = tpu.memref_slice %arg10[%run_scoped3A_84, %dma_start3A_86, %dma_start3A_87] : memref<2x125x128xf32, #tpu.memory_space<vmem>> -> memref<1x125x128xf32, #tpu.memory_space<vmem>>
              %dma_start3A_89 = tpu.memref_squeeze %dma_start3A_88 : memref<1x125x128xf32, #tpu.memory_space<vmem>> -> memref<125x128xf32, #tpu.memory_space<vmem>>
              %dma_start3A_90 = arith.constant 0 : i32
              %dma_start3A_91 = tpu.memref_slice %arg9[%scan3A_41, %dma_start3A_90] : memref<32x125xi32, #tpu.memory_space<vmem>> -> memref<1x125xi32, #tpu.memory_space<vmem>>
              %dma_start3A_92 = tpu.memref_squeeze %dma_start3A_91 : memref<1x125xi32, #tpu.memory_space<vmem>> -> memref<125xi32, #tpu.memory_space<vmem>>
              %dma_start3A_93 = arith.constant 0 : i32
              %dma_start3A_94 = arith.constant 0 : i32
              %dma_start3A_95 = tpu.memref_slice %arg11[%dma_start3A_93, %dma_start3A_94] : memref<10240x128xf32, #tpu.memory_space<vmem_shared>> -> memref<10240x128xf32, #tpu.memory_space<vmem_shared>>
              tpu.enqueue_indirect_dma source(%dma_start3A_89 : memref<125x128xf32, #tpu.memory_space<vmem>>) target(%dma_start3A_95 : memref<10240x128xf32, #tpu.memory_space<vmem_shared>>) offsets(%dma_start3A_92 : memref<125xi32, #tpu.memory_space<vmem>>) semaphore(%run_scoped3A_85 : memref<!tpu.dma_semaphore, #tpu.memory_space<semaphore_mem>>) {add = true}
              %dma_wait3A = arith.constant 0 : i32
              %dma_wait3A_96 = arith.constant 0 : i32
              %dma_wait3A_97 = tpu.memref_slice %arg10[%run_scoped3A_84, %dma_wait3A, %dma_wait3A_96] : memref<2x125x128xf32, #tpu.memory_space<vmem>> -> memref<1x125x128xf32, #tpu.memory_space<vmem>>
              %dma_wait3A_98 = tpu.memref_squeeze %dma_wait3A_97 : memref<1x125x128xf32, #tpu.memory_space<vmem>> -> memref<125x128xf32, #tpu.memory_space<vmem>>
              %dma_wait3A_99 = arith.constant 0 : i32
              %dma_wait3A_100 = tpu.memref_slice %arg9[%scan3A_41, %dma_wait3A_99] : memref<32x125xi32, #tpu.memory_space<vmem>> -> memref<1x125xi32, #tpu.memory_space<vmem>>
              %dma_wait3A_101 = tpu.memref_squeeze %dma_wait3A_100 : memref<1x125xi32, #tpu.memory_space<vmem>> -> memref<125xi32, #tpu.memory_space<vmem>>
              %dma_wait3A_102 = arith.constant 0 : i32
              %dma_wait3A_103 = arith.constant 0 : i32
              %dma_wait3A_104 = tpu.memref_slice %arg11[%dma_wait3A_102, %dma_wait3A_103] : memref<10240x128xf32, #tpu.memory_space<vmem_shared>> -> memref<10240x128xf32, #tpu.memory_space<vmem_shared>>
              tpu.wait_indirect_dma semaphore(%run_scoped3A_85 : memref<!tpu.dma_semaphore, #tpu.memory_space<semaphore_mem>>) src(%dma_wait3A_98 : memref<125x128xf32, #tpu.memory_space<vmem>>) dst(%dma_wait3A_104 : memref<10240x128xf32, #tpu.memory_space<vmem_shared>>)
              tpu.yield
            }) : () -> ()
          } else {
          }
          %eq3A_79 = arith.constant 1 : i32
          %eq3A_80 = arith.cmpi eq, %rem3A_42, %eq3A_79 : i32
          %convert_element_type3A_81 = arith.extui %eq3A_80 : i1 to i32
          %cond3A_82 = arith.constant 0 : i32
          %cond3A_83 = arith.cmpi ne, %convert_element_type3A_81, %cond3A_82 : i32
          scf.if %cond3A_83 {
            %run_scoped3A_84 = arith.constant 1 : i32
            "tpu.region"() ({
              %run_scoped3A_85 = tpu.sem_alloc : memref<!tpu.dma_semaphore, #tpu.memory_space<semaphore_mem>>
              %dma_start3A_86 = arith.constant 0 : i32
              %dma_start3A_87 = arith.constant 0 : i32
              %dma_start3A_88 = tpu.memref_slice %arg10[%run_scoped3A_84, %dma_start3A_86, %dma_start3A_87] : memref<2x125x128xf32, #tpu.memory_space<vmem>> -> memref<1x125x128xf32, #tpu.memory_space<vmem>>
              %dma_start3A_89 = tpu.memref_squeeze %dma_start3A_88 : memref<1x125x128xf32, #tpu.memory_space<vmem>> -> memref<125x128xf32, #tpu.memory_space<vmem>>
              %dma_start3A_90 = arith.constant 0 : i32
              %dma_start3A_91 = tpu.memref_slice %arg9[%scan3A_41, %dma_start3A_90] : memref<32x125xi32, #tpu.memory_space<vmem>> -> memref<1x125xi32, #tpu.memory_space<vmem>>
              %dma_start3A_92 = tpu.memref_squeeze %dma_start3A_91 : memref<1x125xi32, #tpu.memory_space<vmem>> -> memref<125xi32, #tpu.memory_space<vmem>>
              %dma_start3A_93 = arith.constant 0 : i32
              %dma_start3A_94 = arith.constant 0 : i32
              %dma_start3A_95 = tpu.memref_slice %arg11[%dma_start3A_93, %dma_start3A_94] : memref<10240x128xf32, #tpu.memory_space<vmem_shared>> -> memref<10240x128xf32, #tpu.memory_space<vmem_shared>>
              tpu.enqueue_indirect_dma source(%dma_start3A_89 : memref<125x128xf32, #tpu.memory_space<vmem>>) target(%dma_start3A_95 : memref<10240x128xf32, #tpu.memory_space<vmem_shared>>) offsets(%dma_start3A_92 : memref<125xi32, #tpu.memory_space<vmem>>) semaphore(%run_scoped3A_85 : memref<!tpu.dma_semaphore, #tpu.memory_space<semaphore_mem>>) {add = true}
              %dma_wait3A = arith.constant 0 : i32
              %dma_wait3A_96 = arith.constant 0 : i32
              %dma_wait3A_97 = tpu.memref_slice %arg10[%run_scoped3A_84, %dma_wait3A, %dma_wait3A_96] : memref<2x125x128xf32, #tpu.memory_space<vmem>> -> memref<1x125x128xf32, #tpu.memory_space<vmem>>
              %dma_wait3A_98 = tpu.memref_squeeze %dma_wait3A_97 : memref<1x125x128xf32, #tpu.memory_space<vmem>> -> memref<125x128xf32, #tpu.memory_space<vmem>>
              %dma_wait3A_99 = arith.constant 0 : i32
              %dma_wait3A_100 = tpu.memref_slice %arg9[%scan3A_41, %dma_wait3A_99] : memref<32x125xi32, #tpu.memory_space<vmem>> -> memref<1x125xi32, #tpu.memory_space<vmem>>
              %dma_wait3A_101 = tpu.memref_squeeze %dma_wait3A_100 : memref<1x125xi32, #tpu.memory_space<vmem>> -> memref<125xi32, #tpu.memory_space<vmem>>
              %dma_wait3A_102 = arith.constant 0 : i32
              %dma_wait3A_103 = arith.constant 0 : i32
              %dma_wait3A_104 = tpu.memref_slice %arg11[%dma_wait3A_102, %dma_wait3A_103] : memref<10240x128xf32, #tpu.memory_space<vmem_shared>> -> memref<10240x128xf32, #tpu.memory_space<vmem_shared>>
              tpu.wait_indirect_dma semaphore(%run_scoped3A_85 : memref<!tpu.dma_semaphore, #tpu.memory_space<semaphore_mem>>) src(%dma_wait3A_98 : memref<125x128xf32, #tpu.memory_space<vmem>>) dst(%dma_wait3A_104 : memref<10240x128xf32, #tpu.memory_space<vmem_shared>>)
              tpu.yield
            }) : () -> ()
          } else {
          }
        }
        %scan3A_40 = arith.constant 32 : i32
      }
      %scan3A_12 = arith.constant 5 : i32
      %barrier3A_13 = arith.constant 0 : index
      tpu.barrier barrier_id(%barrier3A_13)
      %mul3A_14 = arith.constant 640 : i32
      %mul3A_15 = arith.muli %arg1, %mul3A_14 : i32
      %mul3A_16 = arith.constant 640 : i32
      %mul3A_17 = arith.muli %arg1, %mul3A_16 : i32
      "tpu.region"() ({
        %run_scoped3A = tpu.sem_alloc : memref<!tpu.dma_semaphore, #tpu.memory_space<semaphore_mem>>
        %dma_start3A = arith.constant 0 : i32
        %dma_start3A_18 = tpu.memref_slice %arg6[%mul3A_17, %dma_start3A] : memref<10240x128xf32, #tpu.memory_space<hbm>> -> memref<640x128xf32, #tpu.memory_space<hbm>>
        %dma_start3A_19 = arith.constant 0 : i32
        %dma_start3A_20 = tpu.memref_slice %arg11[%mul3A_15, %dma_start3A_19] : memref<10240x128xf32, #tpu.memory_space<vmem_shared>> -> memref<640x128xf32, #tpu.memory_space<vmem_shared>>
        tpu.enqueue_dma source(%dma_start3A_20 : memref<640x128xf32, #tpu.memory_space<vmem_shared>>) target(%dma_start3A_18 : memref<640x128xf32, #tpu.memory_space<hbm>>) target_semaphore(%run_scoped3A : memref<!tpu.dma_semaphore, #tpu.memory_space<semaphore_mem>>)
        %dma_wait3A = arith.constant 0 : i32
        %dma_wait3A_21 = tpu.memref_slice %arg6[%mul3A_17, %dma_wait3A] : memref<10240x128xf32, #tpu.memory_space<hbm>> -> memref<640x128xf32, #tpu.memory_space<hbm>>
        %dma_wait3A_22 = arith.constant 0 : i32
        %dma_wait3A_23 = tpu.memref_slice %arg11[%mul3A_15, %dma_wait3A_22] : memref<10240x128xf32, #tpu.memory_space<vmem_shared>> -> memref<640x128xf32, #tpu.memory_space<vmem_shared>>
        tpu.wait_dma2 semaphore(%run_scoped3A : memref<!tpu.dma_semaphore, #tpu.memory_space<semaphore_mem>>) src(%dma_wait3A_23 : memref<640x128xf32, #tpu.memory_space<vmem_shared>>) dst(%dma_wait3A_21 : memref<640x128xf32, #tpu.memory_space<hbm>>)
        tpu.yield
      }) : () -> ()
    } else {
    }
    %eq3A_2 = arith.constant 1 : i32
    %eq3A_3 = arith.cmpi eq, %arg0, %eq3A_2 : i32
    %convert_element_type3A_4 = arith.extui %eq3A_3 : i1 to i32
    %cond3A_5 = arith.constant 0 : i32
    %cond3A_6 = arith.cmpi ne, %convert_element_type3A_4, %cond3A_5 : i32
    scf.if %cond3A_6 {
      %mul3A = arith.constant 640 : i32
      %mul3A_7 = arith.muli %arg1, %mul3A : i32
      "tpu.region"() ({
        %run_scoped3A = tpu.sem_alloc : memref<!tpu.dma_semaphore, #tpu.memory_space<semaphore_mem>>
        %dma_start3A = arith.constant 0 : i32
        %dma_start3A_18 = tpu.memref_slice %arg11[%mul3A_7, %dma_start3A] : memref<10240x128xf32, #tpu.memory_space<vmem_shared>> -> memref<640x128xf32, #tpu.memory_space<vmem_shared>>
        tpu.enqueue_dma source(%arg5 : memref<640x128xf32, #tpu.memory_space<hbm>>) target(%dma_start3A_18 : memref<640x128xf32, #tpu.memory_space<vmem_shared>>) target_semaphore(%run_scoped3A : memref<!tpu.dma_semaphore, #tpu.memory_space<semaphore_mem>>)
        %dma_wait3A = arith.constant 0 : i32
        %dma_wait3A_19 = tpu.memref_slice %arg11[%mul3A_7, %dma_wait3A] : memref<10240x128xf32, #tpu.memory_space<vmem_shared>> -> memref<640x128xf32, #tpu.memory_space<vmem_shared>>
        tpu.wait_dma2 semaphore(%run_scoped3A : memref<!tpu.dma_semaphore, #tpu.memory_space<semaphore_mem>>) src(%arg5 : memref<640x128xf32, #tpu.memory_space<hbm>>) dst(%dma_wait3A_19 : memref<640x128xf32, #tpu.memory_space<vmem_shared>>)
        tpu.yield
      }) : () -> ()
      %barrier3A = arith.constant 0 : index
      tpu.barrier barrier_id(%barrier3A)
      %scan3A = arith.constant 0 : i32
      %scan3A_8 = arith.constant 0 : i32
      %scan3A_9 = arith.constant 5 : i32
      %scan3A_10 = arith.addi %scan3A_8, %scan3A_9 : i32
      %scan3A_11 = arith.constant 1 : i32
      scf.for %scan3A_18 = %scan3A_8 to %scan3A_10 step %scan3A_11  : i32 {
        %mul3A_19 = arith.constant 32 : i32
        %mul3A_20 = arith.muli %scan3A_18, %mul3A_19 : i32
        %run_scoped3A = arith.constant 0 : i32
        "tpu.region"() ({
          %run_scoped3A_41 = tpu.sem_alloc : memref<!tpu.dma_semaphore, #tpu.memory_space<semaphore_mem>>
          %dma_start3A_42 = arith.constant 0 : i32
          %dma_start3A_43 = tpu.memref_slice %arg2[%run_scoped3A, %arg1, %mul3A_20, %dma_start3A_42] : memref<2x16x160x125xi32, #tpu.memory_space<hbm>> -> memref<1x1x32x125xi32, #tpu.memory_space<hbm>>
          %dma_start3A_44 = tpu.memref_squeeze %dma_start3A_43 : memref<1x1x32x125xi32, #tpu.memory_space<hbm>> -> memref<32x125xi32, #tpu.memory_space<hbm>>
          %dma_start3A_45 = arith.constant 0 : i32
          %dma_start3A_46 = tpu.memref_slice %arg2[%run_scoped3A, %arg1, %mul3A_20, %dma_start3A_45] : memref<2x16x160x125xi32, #tpu.memory_space<hbm>> -> memref<1x1x32x125xi32, #tpu.memory_space<hbm>>
          %dma_start3A_47 = tpu.memref_squeeze %dma_start3A_46 : memref<1x1x32x125xi32, #tpu.memory_space<hbm>> -> memref<32x125xi32, #tpu.memory_space<hbm>>
          tpu.enqueue_dma source(%dma_start3A_47 : memref<32x125xi32, #tpu.memory_space<hbm>>) target(%arg8 : memref<32x125xi32, #tpu.memory_space<vmem>>) target_semaphore(%run_scoped3A_41 : memref<!tpu.dma_semaphore, #tpu.memory_space<semaphore_mem>>)
          %dma_wait3A = arith.constant 0 : i32
          %dma_wait3A_48 = tpu.memref_slice %arg2[%run_scoped3A, %arg1, %mul3A_20, %dma_wait3A] : memref<2x16x160x125xi32, #tpu.memory_space<hbm>> -> memref<1x1x32x125xi32, #tpu.memory_space<hbm>>
          %dma_wait3A_49 = tpu.memref_squeeze %dma_wait3A_48 : memref<1x1x32x125xi32, #tpu.memory_space<hbm>> -> memref<32x125xi32, #tpu.memory_space<hbm>>
          %dma_wait3A_50 = arith.constant 0 : i32
          %dma_wait3A_51 = tpu.memref_slice %arg2[%run_scoped3A, %arg1, %mul3A_20, %dma_wait3A_50] : memref<2x16x160x125xi32, #tpu.memory_space<hbm>> -> memref<1x1x32x125xi32, #tpu.memory_space<hbm>>
          %dma_wait3A_52 = tpu.memref_squeeze %dma_wait3A_51 : memref<1x1x32x125xi32, #tpu.memory_space<hbm>> -> memref<32x125xi32, #tpu.memory_space<hbm>>
          tpu.wait_dma2 semaphore(%run_scoped3A_41 : memref<!tpu.dma_semaphore, #tpu.memory_space<semaphore_mem>>) src(%dma_wait3A_52 : memref<32x125xi32, #tpu.memory_space<hbm>>) dst(%arg8 : memref<32x125xi32, #tpu.memory_space<vmem>>)
          tpu.yield
        }) : () -> ()
        %mul3A_21 = arith.constant 32 : i32
        %mul3A_22 = arith.muli %scan3A_18, %mul3A_21 : i32
        %run_scoped3A_23 = arith.constant 1 : i32
        "tpu.region"() ({
          %run_scoped3A_41 = tpu.sem_alloc : memref<!tpu.dma_semaphore, #tpu.memory_space<semaphore_mem>>
          %dma_start3A_42 = arith.constant 0 : i32
          %dma_start3A_43 = tpu.memref_slice %arg2[%run_scoped3A_23, %arg1, %mul3A_22, %dma_start3A_42] : memref<2x16x160x125xi32, #tpu.memory_space<hbm>> -> memref<1x1x32x125xi32, #tpu.memory_space<hbm>>
          %dma_start3A_44 = tpu.memref_squeeze %dma_start3A_43 : memref<1x1x32x125xi32, #tpu.memory_space<hbm>> -> memref<32x125xi32, #tpu.memory_space<hbm>>
          %dma_start3A_45 = arith.constant 0 : i32
          %dma_start3A_46 = tpu.memref_slice %arg2[%run_scoped3A_23, %arg1, %mul3A_22, %dma_start3A_45] : memref<2x16x160x125xi32, #tpu.memory_space<hbm>> -> memref<1x1x32x125xi32, #tpu.memory_space<hbm>>
          %dma_start3A_47 = tpu.memref_squeeze %dma_start3A_46 : memref<1x1x32x125xi32, #tpu.memory_space<hbm>> -> memref<32x125xi32, #tpu.memory_space<hbm>>
          tpu.enqueue_dma source(%dma_start3A_47 : memref<32x125xi32, #tpu.memory_space<hbm>>) target(%arg9 : memref<32x125xi32, #tpu.memory_space<vmem>>) target_semaphore(%run_scoped3A_41 : memref<!tpu.dma_semaphore, #tpu.memory_space<semaphore_mem>>)
          %dma_wait3A = arith.constant 0 : i32
          %dma_wait3A_48 = tpu.memref_slice %arg2[%run_scoped3A_23, %arg1, %mul3A_22, %dma_wait3A] : memref<2x16x160x125xi32, #tpu.memory_space<hbm>> -> memref<1x1x32x125xi32, #tpu.memory_space<hbm>>
          %dma_wait3A_49 = tpu.memref_squeeze %dma_wait3A_48 : memref<1x1x32x125xi32, #tpu.memory_space<hbm>> -> memref<32x125xi32, #tpu.memory_space<hbm>>
          %dma_wait3A_50 = arith.constant 0 : i32
          %dma_wait3A_51 = tpu.memref_slice %arg2[%run_scoped3A_23, %arg1, %mul3A_22, %dma_wait3A_50] : memref<2x16x160x125xi32, #tpu.memory_space<hbm>> -> memref<1x1x32x125xi32, #tpu.memory_space<hbm>>
          %dma_wait3A_52 = tpu.memref_squeeze %dma_wait3A_51 : memref<1x1x32x125xi32, #tpu.memory_space<hbm>> -> memref<32x125xi32, #tpu.memory_space<hbm>>
          tpu.wait_dma2 semaphore(%run_scoped3A_41 : memref<!tpu.dma_semaphore, #tpu.memory_space<semaphore_mem>>) src(%dma_wait3A_52 : memref<32x125xi32, #tpu.memory_space<hbm>>) dst(%arg9 : memref<32x125xi32, #tpu.memory_space<vmem>>)
          tpu.yield
        }) : () -> ()
        %dma_start3A = arith.constant 0 : i32
        %dma_start3A_24 = arith.constant 0 : i32
        %dma_start3A_25 = arith.constant 0 : i32
        %dma_start3A_26 = arith.constant 0 : i32
        %dma_start3A_27 = tpu.memref_slice %arg10[%dma_start3A_24, %dma_start3A_25, %dma_start3A_26] : memref<2x125x128xf32, #tpu.memory_space<vmem>> -> memref<1x125x128xf32, #tpu.memory_space<vmem>>
        %dma_start3A_28 = tpu.memref_squeeze %dma_start3A_27 : memref<1x125x128xf32, #tpu.memory_space<vmem>> -> memref<125x128xf32, #tpu.memory_space<vmem>>
        %dma_start3A_29 = arith.constant 0 : i32
        %dma_start3A_30 = tpu.memref_slice %arg8[%dma_start3A, %dma_start3A_29] : memref<32x125xi32, #tpu.memory_space<vmem>> -> memref<1x125xi32, #tpu.memory_space<vmem>>
        %dma_start3A_31 = tpu.memref_squeeze %dma_start3A_30 : memref<1x125xi32, #tpu.memory_space<vmem>> -> memref<125xi32, #tpu.memory_space<vmem>>
        %dma_start3A_32 = arith.constant 0 : i32
        %dma_start3A_33 = arith.constant 0 : i32
        %dma_start3A_34 = tpu.memref_slice %arg4[%dma_start3A_32, %dma_start3A_33] : memref<10000x128xf32, #tpu.memory_space<hbm>> -> memref<10000x128xf32, #tpu.memory_space<hbm>>
        tpu.enqueue_indirect_dma source(%dma_start3A_34 : memref<10000x128xf32, #tpu.memory_space<hbm>>) target(%dma_start3A_28 : memref<125x128xf32, #tpu.memory_space<vmem>>) offsets(%dma_start3A_31 : memref<125xi32, #tpu.memory_space<vmem>>) semaphore(%arg12 : memref<!tpu.dma_semaphore, #tpu.memory_space<semaphore_mem>>)
        %scan3A_35 = arith.constant 0 : i32
        %scan3A_36 = arith.constant 0 : i32
        %scan3A_37 = arith.constant 32 : i32
        %scan3A_38 = arith.addi %scan3A_36, %scan3A_37 : i32
        %scan3A_39 = arith.constant 1 : i32
        scf.for %scan3A_41 = %scan3A_36 to %scan3A_38 step %scan3A_39  : i32 {
          %rem3A = arith.constant 2 : i32
          %rem3A_42 = arith.remsi %scan3A_41, %rem3A : i32
          %add3A = arith.constant 1 : i32
          %add3A_43 = arith.addi %scan3A_41, %add3A : i32
          %rem3A_44 = arith.constant 2 : i32
          %rem3A_45 = arith.remsi %add3A_43, %rem3A_44 : i32
          %eq3A_46 = arith.constant 0 : i32
          %eq3A_47 = arith.cmpi eq, %rem3A_42, %eq3A_46 : i32
          %convert_element_type3A_48 = arith.extui %eq3A_47 : i1 to i32
          %cond3A_49 = arith.constant 0 : i32
          %cond3A_50 = arith.cmpi ne, %convert_element_type3A_48, %cond3A_49 : i32
          scf.if %cond3A_50 {
            %dma_wait3A = arith.constant 0 : i32
            %dma_wait3A_84 = arith.constant 0 : i32
            %dma_wait3A_85 = arith.constant 0 : i32
            %dma_wait3A_86 = tpu.memref_slice %arg10[%dma_wait3A, %dma_wait3A_84, %dma_wait3A_85] : memref<2x125x128xf32, #tpu.memory_space<vmem>> -> memref<1x125x128xf32, #tpu.memory_space<vmem>>
            %dma_wait3A_87 = tpu.memref_squeeze %dma_wait3A_86 : memref<1x125x128xf32, #tpu.memory_space<vmem>> -> memref<125x128xf32, #tpu.memory_space<vmem>>
            %dma_wait3A_88 = arith.constant 0 : i32
            %dma_wait3A_89 = tpu.memref_slice %arg8[%scan3A_41, %dma_wait3A_88] : memref<32x125xi32, #tpu.memory_space<vmem>> -> memref<1x125xi32, #tpu.memory_space<vmem>>
            %dma_wait3A_90 = tpu.memref_squeeze %dma_wait3A_89 : memref<1x125xi32, #tpu.memory_space<vmem>> -> memref<125xi32, #tpu.memory_space<vmem>>
            %dma_wait3A_91 = arith.constant 0 : i32
            %dma_wait3A_92 = arith.constant 0 : i32
            %dma_wait3A_93 = tpu.memref_slice %arg4[%dma_wait3A_91, %dma_wait3A_92] : memref<10000x128xf32, #tpu.memory_space<hbm>> -> memref<10000x128xf32, #tpu.memory_space<hbm>>
            tpu.wait_indirect_dma semaphore(%arg12 : memref<!tpu.dma_semaphore, #tpu.memory_space<semaphore_mem>>) src(%dma_wait3A_93 : memref<10000x128xf32, #tpu.memory_space<hbm>>) dst(%dma_wait3A_87 : memref<125x128xf32, #tpu.memory_space<vmem>>)
          } else {
          }
          %eq3A_51 = arith.constant 1 : i32
          %eq3A_52 = arith.cmpi eq, %rem3A_42, %eq3A_51 : i32
          %convert_element_type3A_53 = arith.extui %eq3A_52 : i1 to i32
          %cond3A_54 = arith.constant 0 : i32
          %cond3A_55 = arith.cmpi ne, %convert_element_type3A_53, %cond3A_54 : i32
          scf.if %cond3A_55 {
            %dma_wait3A = arith.constant 1 : i32
            %dma_wait3A_84 = arith.constant 0 : i32
            %dma_wait3A_85 = arith.constant 0 : i32
            %dma_wait3A_86 = tpu.memref_slice %arg10[%dma_wait3A, %dma_wait3A_84, %dma_wait3A_85] : memref<2x125x128xf32, #tpu.memory_space<vmem>> -> memref<1x125x128xf32, #tpu.memory_space<vmem>>
            %dma_wait3A_87 = tpu.memref_squeeze %dma_wait3A_86 : memref<1x125x128xf32, #tpu.memory_space<vmem>> -> memref<125x128xf32, #tpu.memory_space<vmem>>
            %dma_wait3A_88 = arith.constant 0 : i32
            %dma_wait3A_89 = tpu.memref_slice %arg8[%scan3A_41, %dma_wait3A_88] : memref<32x125xi32, #tpu.memory_space<vmem>> -> memref<1x125xi32, #tpu.memory_space<vmem>>
            %dma_wait3A_90 = tpu.memref_squeeze %dma_wait3A_89 : memref<1x125xi32, #tpu.memory_space<vmem>> -> memref<125xi32, #tpu.memory_space<vmem>>
            %dma_wait3A_91 = arith.constant 0 : i32
            %dma_wait3A_92 = arith.constant 0 : i32
            %dma_wait3A_93 = tpu.memref_slice %arg4[%dma_wait3A_91, %dma_wait3A_92] : memref<10000x128xf32, #tpu.memory_space<hbm>> -> memref<10000x128xf32, #tpu.memory_space<hbm>>
            tpu.wait_indirect_dma semaphore(%arg13 : memref<!tpu.dma_semaphore, #tpu.memory_space<semaphore_mem>>) src(%dma_wait3A_93 : memref<10000x128xf32, #tpu.memory_space<hbm>>) dst(%dma_wait3A_87 : memref<125x128xf32, #tpu.memory_space<vmem>>)
          } else {
          }
          %add3A_56 = arith.constant 1 : i32
          %add3A_57 = arith.addi %scan3A_41, %add3A_56 : i32
          %lt3A = arith.constant 32 : i32
          %lt3A_58 = arith.cmpi slt, %add3A_57, %lt3A : i32
          %eq3A_59 = arith.constant 0 : i32
          %eq3A_60 = arith.cmpi eq, %rem3A_45, %eq3A_59 : i32
          %and3A = arith.andi %lt3A_58, %eq3A_60 : i1
          %convert_element_type3A_61 = arith.extui %and3A : i1 to i32
          %cond3A_62 = arith.constant 0 : i32
          %cond3A_63 = arith.cmpi ne, %convert_element_type3A_61, %cond3A_62 : i32
          scf.if %cond3A_63 {
            %add3A_84 = arith.constant 1 : i32
            %add3A_85 = arith.addi %scan3A_41, %add3A_84 : i32
            %dma_start3A_86 = arith.constant 0 : i32
            %dma_start3A_87 = arith.constant 0 : i32
            %dma_start3A_88 = arith.constant 0 : i32
            %dma_start3A_89 = tpu.memref_slice %arg10[%dma_start3A_86, %dma_start3A_87, %dma_start3A_88] : memref<2x125x128xf32, #tpu.memory_space<vmem>> -> memref<1x125x128xf32, #tpu.memory_space<vmem>>
            %dma_start3A_90 = tpu.memref_squeeze %dma_start3A_89 : memref<1x125x128xf32, #tpu.memory_space<vmem>> -> memref<125x128xf32, #tpu.memory_space<vmem>>
            %dma_start3A_91 = arith.constant 0 : i32
            %dma_start3A_92 = tpu.memref_slice %arg8[%add3A_85, %dma_start3A_91] : memref<32x125xi32, #tpu.memory_space<vmem>> -> memref<1x125xi32, #tpu.memory_space<vmem>>
            %dma_start3A_93 = tpu.memref_squeeze %dma_start3A_92 : memref<1x125xi32, #tpu.memory_space<vmem>> -> memref<125xi32, #tpu.memory_space<vmem>>
            %dma_start3A_94 = arith.constant 0 : i32
            %dma_start3A_95 = arith.constant 0 : i32
            %dma_start3A_96 = tpu.memref_slice %arg4[%dma_start3A_94, %dma_start3A_95] : memref<10000x128xf32, #tpu.memory_space<hbm>> -> memref<10000x128xf32, #tpu.memory_space<hbm>>
            tpu.enqueue_indirect_dma source(%dma_start3A_96 : memref<10000x128xf32, #tpu.memory_space<hbm>>) target(%dma_start3A_90 : memref<125x128xf32, #tpu.memory_space<vmem>>) offsets(%dma_start3A_93 : memref<125xi32, #tpu.memory_space<vmem>>) semaphore(%arg12 : memref<!tpu.dma_semaphore, #tpu.memory_space<semaphore_mem>>)
          } else {
          }
          %add3A_64 = arith.constant 1 : i32
          %add3A_65 = arith.addi %scan3A_41, %add3A_64 : i32
          %lt3A_66 = arith.constant 32 : i32
          %lt3A_67 = arith.cmpi slt, %add3A_65, %lt3A_66 : i32
          %eq3A_68 = arith.constant 1 : i32
          %eq3A_69 = arith.cmpi eq, %rem3A_45, %eq3A_68 : i32
          %and3A_70 = arith.andi %lt3A_67, %eq3A_69 : i1
          %convert_element_type3A_71 = arith.extui %and3A_70 : i1 to i32
          %cond3A_72 = arith.constant 0 : i32
          %cond3A_73 = arith.cmpi ne, %convert_element_type3A_71, %cond3A_72 : i32
          scf.if %cond3A_73 {
            %add3A_84 = arith.constant 1 : i32
            %add3A_85 = arith.addi %scan3A_41, %add3A_84 : i32
            %dma_start3A_86 = arith.constant 1 : i32
            %dma_start3A_87 = arith.constant 0 : i32
            %dma_start3A_88 = arith.constant 0 : i32
            %dma_start3A_89 = tpu.memref_slice %arg10[%dma_start3A_86, %dma_start3A_87, %dma_start3A_88] : memref<2x125x128xf32, #tpu.memory_space<vmem>> -> memref<1x125x128xf32, #tpu.memory_space<vmem>>
            %dma_start3A_90 = tpu.memref_squeeze %dma_start3A_89 : memref<1x125x128xf32, #tpu.memory_space<vmem>> -> memref<125x128xf32, #tpu.memory_space<vmem>>
            %dma_start3A_91 = arith.constant 0 : i32
            %dma_start3A_92 = tpu.memref_slice %arg8[%add3A_85, %dma_start3A_91] : memref<32x125xi32, #tpu.memory_space<vmem>> -> memref<1x125xi32, #tpu.memory_space<vmem>>
            %dma_start3A_93 = tpu.memref_squeeze %dma_start3A_92 : memref<1x125xi32, #tpu.memory_space<vmem>> -> memref<125xi32, #tpu.memory_space<vmem>>
            %dma_start3A_94 = arith.constant 0 : i32
            %dma_start3A_95 = arith.constant 0 : i32
            %dma_start3A_96 = tpu.memref_slice %arg4[%dma_start3A_94, %dma_start3A_95] : memref<10000x128xf32, #tpu.memory_space<hbm>> -> memref<10000x128xf32, #tpu.memory_space<hbm>>
            tpu.enqueue_indirect_dma source(%dma_start3A_96 : memref<10000x128xf32, #tpu.memory_space<hbm>>) target(%dma_start3A_90 : memref<125x128xf32, #tpu.memory_space<vmem>>) offsets(%dma_start3A_93 : memref<125xi32, #tpu.memory_space<vmem>>) semaphore(%arg13 : memref<!tpu.dma_semaphore, #tpu.memory_space<semaphore_mem>>)
          } else {
          }
          %eq3A_74 = arith.constant 0 : i32
          %eq3A_75 = arith.cmpi eq, %rem3A_42, %eq3A_74 : i32
          %convert_element_type3A_76 = arith.extui %eq3A_75 : i1 to i32
          %cond3A_77 = arith.constant 0 : i32
          %cond3A_78 = arith.cmpi ne, %convert_element_type3A_76, %cond3A_77 : i32
          scf.if %cond3A_78 {
            %run_scoped3A_84 = arith.constant 0 : i32
            "tpu.region"() ({
              %run_scoped3A_85 = tpu.sem_alloc : memref<!tpu.dma_semaphore, #tpu.memory_space<semaphore_mem>>
              %dma_start3A_86 = arith.constant 0 : i32
              %dma_start3A_87 = arith.constant 0 : i32
              %dma_start3A_88 = tpu.memref_slice %arg10[%run_scoped3A_84, %dma_start3A_86, %dma_start3A_87] : memref<2x125x128xf32, #tpu.memory_space<vmem>> -> memref<1x125x128xf32, #tpu.memory_space<vmem>>
              %dma_start3A_89 = tpu.memref_squeeze %dma_start3A_88 : memref<1x125x128xf32, #tpu.memory_space<vmem>> -> memref<125x128xf32, #tpu.memory_space<vmem>>
              %dma_start3A_90 = arith.constant 0 : i32
              %dma_start3A_91 = tpu.memref_slice %arg9[%scan3A_41, %dma_start3A_90] : memref<32x125xi32, #tpu.memory_space<vmem>> -> memref<1x125xi32, #tpu.memory_space<vmem>>
              %dma_start3A_92 = tpu.memref_squeeze %dma_start3A_91 : memref<1x125xi32, #tpu.memory_space<vmem>> -> memref<125xi32, #tpu.memory_space<vmem>>
              %dma_start3A_93 = arith.constant 0 : i32
              %dma_start3A_94 = arith.constant 0 : i32
              %dma_start3A_95 = tpu.memref_slice %arg11[%dma_start3A_93, %dma_start3A_94] : memref<10240x128xf32, #tpu.memory_space<vmem_shared>> -> memref<10240x128xf32, #tpu.memory_space<vmem_shared>>
              tpu.enqueue_indirect_dma source(%dma_start3A_89 : memref<125x128xf32, #tpu.memory_space<vmem>>) target(%dma_start3A_95 : memref<10240x128xf32, #tpu.memory_space<vmem_shared>>) offsets(%dma_start3A_92 : memref<125xi32, #tpu.memory_space<vmem>>) semaphore(%run_scoped3A_85 : memref<!tpu.dma_semaphore, #tpu.memory_space<semaphore_mem>>) {add = true}
              %dma_wait3A = arith.constant 0 : i32
              %dma_wait3A_96 = arith.constant 0 : i32
              %dma_wait3A_97 = tpu.memref_slice %arg10[%run_scoped3A_84, %dma_wait3A, %dma_wait3A_96] : memref<2x125x128xf32, #tpu.memory_space<vmem>> -> memref<1x125x128xf32, #tpu.memory_space<vmem>>
              %dma_wait3A_98 = tpu.memref_squeeze %dma_wait3A_97 : memref<1x125x128xf32, #tpu.memory_space<vmem>> -> memref<125x128xf32, #tpu.memory_space<vmem>>
              %dma_wait3A_99 = arith.constant 0 : i32
              %dma_wait3A_100 = tpu.memref_slice %arg9[%scan3A_41, %dma_wait3A_99] : memref<32x125xi32, #tpu.memory_space<vmem>> -> memref<1x125xi32, #tpu.memory_space<vmem>>
              %dma_wait3A_101 = tpu.memref_squeeze %dma_wait3A_100 : memref<1x125xi32, #tpu.memory_space<vmem>> -> memref<125xi32, #tpu.memory_space<vmem>>
              %dma_wait3A_102 = arith.constant 0 : i32
              %dma_wait3A_103 = arith.constant 0 : i32
              %dma_wait3A_104 = tpu.memref_slice %arg11[%dma_wait3A_102, %dma_wait3A_103] : memref<10240x128xf32, #tpu.memory_space<vmem_shared>> -> memref<10240x128xf32, #tpu.memory_space<vmem_shared>>
              tpu.wait_indirect_dma semaphore(%run_scoped3A_85 : memref<!tpu.dma_semaphore, #tpu.memory_space<semaphore_mem>>) src(%dma_wait3A_98 : memref<125x128xf32, #tpu.memory_space<vmem>>) dst(%dma_wait3A_104 : memref<10240x128xf32, #tpu.memory_space<vmem_shared>>)
              tpu.yield
            }) : () -> ()
          } else {
          }
          %eq3A_79 = arith.constant 1 : i32
          %eq3A_80 = arith.cmpi eq, %rem3A_42, %eq3A_79 : i32
          %convert_element_type3A_81 = arith.extui %eq3A_80 : i1 to i32
          %cond3A_82 = arith.constant 0 : i32
          %cond3A_83 = arith.cmpi ne, %convert_element_type3A_81, %cond3A_82 : i32
          scf.if %cond3A_83 {
            %run_scoped3A_84 = arith.constant 1 : i32
            "tpu.region"() ({
              %run_scoped3A_85 = tpu.sem_alloc : memref<!tpu.dma_semaphore, #tpu.memory_space<semaphore_mem>>
              %dma_start3A_86 = arith.constant 0 : i32
              %dma_start3A_87 = arith.constant 0 : i32
              %dma_start3A_88 = tpu.memref_slice %arg10[%run_scoped3A_84, %dma_start3A_86, %dma_start3A_87] : memref<2x125x128xf32, #tpu.memory_space<vmem>> -> memref<1x125x128xf32, #tpu.memory_space<vmem>>
              %dma_start3A_89 = tpu.memref_squeeze %dma_start3A_88 : memref<1x125x128xf32, #tpu.memory_space<vmem>> -> memref<125x128xf32, #tpu.memory_space<vmem>>
              %dma_start3A_90 = arith.constant 0 : i32
              %dma_start3A_91 = tpu.memref_slice %arg9[%scan3A_41, %dma_start3A_90] : memref<32x125xi32, #tpu.memory_space<vmem>> -> memref<1x125xi32, #tpu.memory_space<vmem>>
              %dma_start3A_92 = tpu.memref_squeeze %dma_start3A_91 : memref<1x125xi32, #tpu.memory_space<vmem>> -> memref<125xi32, #tpu.memory_space<vmem>>
              %dma_start3A_93 = arith.constant 0 : i32
              %dma_start3A_94 = arith.constant 0 : i32
              %dma_start3A_95 = tpu.memref_slice %arg11[%dma_start3A_93, %dma_start3A_94] : memref<10240x128xf32, #tpu.memory_space<vmem_shared>> -> memref<10240x128xf32, #tpu.memory_space<vmem_shared>>
              tpu.enqueue_indirect_dma source(%dma_start3A_89 : memref<125x128xf32, #tpu.memory_space<vmem>>) target(%dma_start3A_95 : memref<10240x128xf32, #tpu.memory_space<vmem_shared>>) offsets(%dma_start3A_92 : memref<125xi32, #tpu.memory_space<vmem>>) semaphore(%run_scoped3A_85 : memref<!tpu.dma_semaphore, #tpu.memory_space<semaphore_mem>>) {add = true}
              %dma_wait3A = arith.constant 0 : i32
              %dma_wait3A_96 = arith.constant 0 : i32
              %dma_wait3A_97 = tpu.memref_slice %arg10[%run_scoped3A_84, %dma_wait3A, %dma_wait3A_96] : memref<2x125x128xf32, #tpu.memory_space<vmem>> -> memref<1x125x128xf32, #tpu.memory_space<vmem>>
              %dma_wait3A_98 = tpu.memref_squeeze %dma_wait3A_97 : memref<1x125x128xf32, #tpu.memory_space<vmem>> -> memref<125x128xf32, #tpu.memory_space<vmem>>
              %dma_wait3A_99 = arith.constant 0 : i32
              %dma_wait3A_100 = tpu.memref_slice %arg9[%scan3A_41, %dma_wait3A_99] : memref<32x125xi32, #tpu.memory_space<vmem>> -> memref<1x125xi32, #tpu.memory_space<vmem>>
              %dma_wait3A_101 = tpu.memref_squeeze %dma_wait3A_100 : memref<1x125xi32, #tpu.memory_space<vmem>> -> memref<125xi32, #tpu.memory_space<vmem>>
              %dma_wait3A_102 = arith.constant 0 : i32
              %dma_wait3A_103 = arith.constant 0 : i32
              %dma_wait3A_104 = tpu.memref_slice %arg11[%dma_wait3A_102, %dma_wait3A_103] : memref<10240x128xf32, #tpu.memory_space<vmem_shared>> -> memref<10240x128xf32, #tpu.memory_space<vmem_shared>>
              tpu.wait_indirect_dma semaphore(%run_scoped3A_85 : memref<!tpu.dma_semaphore, #tpu.memory_space<semaphore_mem>>) src(%dma_wait3A_98 : memref<125x128xf32, #tpu.memory_space<vmem>>) dst(%dma_wait3A_104 : memref<10240x128xf32, #tpu.memory_space<vmem_shared>>)
              tpu.yield
            }) : () -> ()
          } else {
          }
        }
        %scan3A_40 = arith.constant 32 : i32
      }
      %scan3A_12 = arith.constant 5 : i32
      %barrier3A_13 = arith.constant 0 : index
      tpu.barrier barrier_id(%barrier3A_13)
      %mul3A_14 = arith.constant 640 : i32
      %mul3A_15 = arith.muli %arg1, %mul3A_14 : i32
      %mul3A_16 = arith.constant 640 : i32
      %mul3A_17 = arith.muli %arg1, %mul3A_16 : i32
      "tpu.region"() ({
        %run_scoped3A = tpu.sem_alloc : memref<!tpu.dma_semaphore, #tpu.memory_space<semaphore_mem>>
        %dma_start3A = arith.constant 0 : i32
        %dma_start3A_18 = tpu.memref_slice %arg7[%mul3A_17, %dma_start3A] : memref<10240x128xf32, #tpu.memory_space<hbm>> -> memref<640x128xf32, #tpu.memory_space<hbm>>
        %dma_start3A_19 = arith.constant 0 : i32
        %dma_start3A_20 = tpu.memref_slice %arg11[%mul3A_15, %dma_start3A_19] : memref<10240x128xf32, #tpu.memory_space<vmem_shared>> -> memref<640x128xf32, #tpu.memory_space<vmem_shared>>
        tpu.enqueue_dma source(%dma_start3A_20 : memref<640x128xf32, #tpu.memory_space<vmem_shared>>) target(%dma_start3A_18 : memref<640x128xf32, #tpu.memory_space<hbm>>) target_semaphore(%run_scoped3A : memref<!tpu.dma_semaphore, #tpu.memory_space<semaphore_mem>>)
        %dma_wait3A = arith.constant 0 : i32
        %dma_wait3A_21 = tpu.memref_slice %arg7[%mul3A_17, %dma_wait3A] : memref<10240x128xf32, #tpu.memory_space<hbm>> -> memref<640x128xf32, #tpu.memory_space<hbm>>
        %dma_wait3A_22 = arith.constant 0 : i32
        %dma_wait3A_23 = tpu.memref_slice %arg11[%mul3A_15, %dma_wait3A_22] : memref<10240x128xf32, #tpu.memory_space<vmem_shared>> -> memref<640x128xf32, #tpu.memory_space<vmem_shared>>
        tpu.wait_dma2 semaphore(%run_scoped3A : memref<!tpu.dma_semaphore, #tpu.memory_space<semaphore_mem>>) src(%dma_wait3A_23 : memref<640x128xf32, #tpu.memory_space<vmem_shared>>) dst(%dma_wait3A_21 : memref<640x128xf32, #tpu.memory_space<hbm>>)
        tpu.yield
      }) : () -> ()
    } else {
    }
    return
  }
}

#map = affine_map<(d0, d1) -> (0, 0, 0, 0)>
#map1 = affine_map<(d0, d1) -> (0)>
#map2 = affine_map<(d0, d1) -> (0, 0)>
module attributes {stable_mosaic.version = 14 : i64} {
  func.func @_degree_body(%arg0: i32, %arg1: i32, %arg2: memref<2x16x160x125xi32, #tpu.memory_space<hbm>>, %arg3: memref<10240xf32, #tpu.memory_space<hbm>>, %arg4: memref<125xf32, #tpu.memory_space<hbm>>, %arg5: memref<2x10240xf32, #tpu.memory_space<hbm>>, %arg6: memref<160x125xi32, #tpu.memory_space<vmem>>, %arg7: memref<125xf32, #tpu.memory_space<vmem>>, %arg8: memref<10240xf32, #tpu.memory_space<vmem_shared>>) attributes {dimension_semantics = [#tpu.dimension_semantics<core_parallel>, #tpu.dimension_semantics<subcore_parallel>], iteration_bounds = array<i64: 2, 16>, scalar_prefetch = 0 : i64, scratch_operands = 3 : i64, tpu.core_type = #tpu.core_type<sc_vector_subcore>, window_params = [{transform_indices = #map}, {transform_indices = #map1}, {transform_indices = #map1}, {transform_indices = #map2}]} {
    %mul3A = arith.constant 640 : i32
    %mul3A_0 = arith.muli %arg1, %mul3A : i32
    "tpu.region"() ({
      %run_scoped3A = tpu.sem_alloc : memref<!tpu.dma_semaphore, #tpu.memory_space<semaphore_mem>>
      %dma_start3A = tpu.memref_slice %arg8[%mul3A_0] : memref<10240xf32, #tpu.memory_space<vmem_shared>> -> memref<640xf32, #tpu.memory_space<vmem_shared>>
      %dma_start3A_11 = arith.constant 0 : i32
      %dma_start3A_12 = tpu.memref_slice %arg3[%dma_start3A_11] : memref<10240xf32, #tpu.memory_space<hbm>> -> memref<640xf32, #tpu.memory_space<hbm>>
      tpu.enqueue_dma source(%dma_start3A_12 : memref<640xf32, #tpu.memory_space<hbm>>) target(%dma_start3A : memref<640xf32, #tpu.memory_space<vmem_shared>>) target_semaphore(%run_scoped3A : memref<!tpu.dma_semaphore, #tpu.memory_space<semaphore_mem>>)
      %dma_wait3A = tpu.memref_slice %arg8[%mul3A_0] : memref<10240xf32, #tpu.memory_space<vmem_shared>> -> memref<640xf32, #tpu.memory_space<vmem_shared>>
      %dma_wait3A_13 = arith.constant 0 : i32
      %dma_wait3A_14 = tpu.memref_slice %arg3[%dma_wait3A_13] : memref<10240xf32, #tpu.memory_space<hbm>> -> memref<640xf32, #tpu.memory_space<hbm>>
      tpu.wait_dma2 semaphore(%run_scoped3A : memref<!tpu.dma_semaphore, #tpu.memory_space<semaphore_mem>>) src(%dma_wait3A_14 : memref<640xf32, #tpu.memory_space<hbm>>) dst(%dma_wait3A : memref<640xf32, #tpu.memory_space<vmem_shared>>)
      tpu.yield
    }) : () -> ()
    "tpu.region"() ({
      %run_scoped3A = tpu.sem_alloc : memref<!tpu.dma_semaphore, #tpu.memory_space<semaphore_mem>>
      tpu.enqueue_dma source(%arg4 : memref<125xf32, #tpu.memory_space<hbm>>) target(%arg7 : memref<125xf32, #tpu.memory_space<vmem>>) target_semaphore(%run_scoped3A : memref<!tpu.dma_semaphore, #tpu.memory_space<semaphore_mem>>)
      tpu.wait_dma2 semaphore(%run_scoped3A : memref<!tpu.dma_semaphore, #tpu.memory_space<semaphore_mem>>) src(%arg4 : memref<125xf32, #tpu.memory_space<hbm>>) dst(%arg7 : memref<125xf32, #tpu.memory_space<vmem>>)
      tpu.yield
    }) : () -> ()
    "tpu.region"() ({
      %run_scoped3A = tpu.sem_alloc : memref<!tpu.dma_semaphore, #tpu.memory_space<semaphore_mem>>
      %dma_start3A = arith.constant 0 : i32
      %dma_start3A_11 = arith.constant 0 : i32
      %dma_start3A_12 = tpu.memref_slice %arg2[%arg0, %arg1, %dma_start3A, %dma_start3A_11] : memref<2x16x160x125xi32, #tpu.memory_space<hbm>> -> memref<1x1x160x125xi32, #tpu.memory_space<hbm>>
      %dma_start3A_13 = tpu.memref_squeeze %dma_start3A_12 : memref<1x1x160x125xi32, #tpu.memory_space<hbm>> -> memref<160x125xi32, #tpu.memory_space<hbm>>
      %dma_start3A_14 = arith.constant 0 : i32
      %dma_start3A_15 = arith.constant 0 : i32
      %dma_start3A_16 = tpu.memref_slice %arg2[%arg0, %arg1, %dma_start3A_14, %dma_start3A_15] : memref<2x16x160x125xi32, #tpu.memory_space<hbm>> -> memref<1x1x160x125xi32, #tpu.memory_space<hbm>>
      %dma_start3A_17 = tpu.memref_squeeze %dma_start3A_16 : memref<1x1x160x125xi32, #tpu.memory_space<hbm>> -> memref<160x125xi32, #tpu.memory_space<hbm>>
      tpu.enqueue_dma source(%dma_start3A_17 : memref<160x125xi32, #tpu.memory_space<hbm>>) target(%arg6 : memref<160x125xi32, #tpu.memory_space<vmem>>) target_semaphore(%run_scoped3A : memref<!tpu.dma_semaphore, #tpu.memory_space<semaphore_mem>>)
      %dma_wait3A = arith.constant 0 : i32
      %dma_wait3A_18 = arith.constant 0 : i32
      %dma_wait3A_19 = tpu.memref_slice %arg2[%arg0, %arg1, %dma_wait3A, %dma_wait3A_18] : memref<2x16x160x125xi32, #tpu.memory_space<hbm>> -> memref<1x1x160x125xi32, #tpu.memory_space<hbm>>
      %dma_wait3A_20 = tpu.memref_squeeze %dma_wait3A_19 : memref<1x1x160x125xi32, #tpu.memory_space<hbm>> -> memref<160x125xi32, #tpu.memory_space<hbm>>
      %dma_wait3A_21 = arith.constant 0 : i32
      %dma_wait3A_22 = arith.constant 0 : i32
      %dma_wait3A_23 = tpu.memref_slice %arg2[%arg0, %arg1, %dma_wait3A_21, %dma_wait3A_22] : memref<2x16x160x125xi32, #tpu.memory_space<hbm>> -> memref<1x1x160x125xi32, #tpu.memory_space<hbm>>
      %dma_wait3A_24 = tpu.memref_squeeze %dma_wait3A_23 : memref<1x1x160x125xi32, #tpu.memory_space<hbm>> -> memref<160x125xi32, #tpu.memory_space<hbm>>
      tpu.wait_dma2 semaphore(%run_scoped3A : memref<!tpu.dma_semaphore, #tpu.memory_space<semaphore_mem>>) src(%dma_wait3A_24 : memref<160x125xi32, #tpu.memory_space<hbm>>) dst(%arg6 : memref<160x125xi32, #tpu.memory_space<vmem>>)
      tpu.yield
    }) : () -> ()
    %barrier3A = arith.constant 0 : index
    tpu.barrier barrier_id(%barrier3A)
    %scan3A = arith.constant 0 : i32
    %scan3A_1 = arith.constant 0 : i32
    %scan3A_2 = arith.constant 160 : i32
    %scan3A_3 = arith.addi %scan3A_1, %scan3A_2 : i32
    %scan3A_4 = arith.constant 1 : i32
    scf.for %scan3A_11 = %scan3A_1 to %scan3A_3 step %scan3A_4  : i32 {
      "tpu.region"() ({
        %run_scoped3A = tpu.sem_alloc : memref<!tpu.dma_semaphore, #tpu.memory_space<semaphore_mem>>
        %dma_start3A = arith.constant 0 : i32
        %dma_start3A_12 = tpu.memref_slice %arg6[%scan3A_11, %dma_start3A] : memref<160x125xi32, #tpu.memory_space<vmem>> -> memref<1x125xi32, #tpu.memory_space<vmem>>
        %dma_start3A_13 = tpu.memref_squeeze %dma_start3A_12 : memref<1x125xi32, #tpu.memory_space<vmem>> -> memref<125xi32, #tpu.memory_space<vmem>>
        %dma_start3A_14 = arith.constant 0 : i32
        %dma_start3A_15 = tpu.memref_slice %arg8[%dma_start3A_14] : memref<10240xf32, #tpu.memory_space<vmem_shared>> -> memref<10240xf32, #tpu.memory_space<vmem_shared>>
        tpu.enqueue_indirect_dma source(%arg7 : memref<125xf32, #tpu.memory_space<vmem>>) target(%dma_start3A_15 : memref<10240xf32, #tpu.memory_space<vmem_shared>>) offsets(%dma_start3A_13 : memref<125xi32, #tpu.memory_space<vmem>>) semaphore(%run_scoped3A : memref<!tpu.dma_semaphore, #tpu.memory_space<semaphore_mem>>) {add = true}
        %dma_wait3A = arith.constant 0 : i32
        %dma_wait3A_16 = tpu.memref_slice %arg6[%scan3A_11, %dma_wait3A] : memref<160x125xi32, #tpu.memory_space<vmem>> -> memref<1x125xi32, #tpu.memory_space<vmem>>
        %dma_wait3A_17 = tpu.memref_squeeze %dma_wait3A_16 : memref<1x125xi32, #tpu.memory_space<vmem>> -> memref<125xi32, #tpu.memory_space<vmem>>
        %dma_wait3A_18 = arith.constant 0 : i32
        %dma_wait3A_19 = tpu.memref_slice %arg8[%dma_wait3A_18] : memref<10240xf32, #tpu.memory_space<vmem_shared>> -> memref<10240xf32, #tpu.memory_space<vmem_shared>>
        tpu.wait_indirect_dma semaphore(%run_scoped3A : memref<!tpu.dma_semaphore, #tpu.memory_space<semaphore_mem>>) src(%arg7 : memref<125xf32, #tpu.memory_space<vmem>>) dst(%dma_wait3A_19 : memref<10240xf32, #tpu.memory_space<vmem_shared>>)
        tpu.yield
      }) : () -> ()
    }
    %scan3A_5 = arith.constant 160 : i32
    %barrier3A_6 = arith.constant 0 : index
    tpu.barrier barrier_id(%barrier3A_6)
    %mul3A_7 = arith.constant 640 : i32
    %mul3A_8 = arith.muli %arg1, %mul3A_7 : i32
    %mul3A_9 = arith.constant 640 : i32
    %mul3A_10 = arith.muli %arg1, %mul3A_9 : i32
    "tpu.region"() ({
      %run_scoped3A = tpu.sem_alloc : memref<!tpu.dma_semaphore, #tpu.memory_space<semaphore_mem>>
      %dma_start3A = tpu.memref_slice %arg5[%arg0, %mul3A_10] : memref<2x10240xf32, #tpu.memory_space<hbm>> -> memref<1x640xf32, #tpu.memory_space<hbm>>
      %dma_start3A_11 = tpu.memref_squeeze %dma_start3A : memref<1x640xf32, #tpu.memory_space<hbm>> -> memref<640xf32, #tpu.memory_space<hbm>>
      %dma_start3A_12 = tpu.memref_slice %arg8[%mul3A_8] : memref<10240xf32, #tpu.memory_space<vmem_shared>> -> memref<640xf32, #tpu.memory_space<vmem_shared>>
      tpu.enqueue_dma source(%dma_start3A_12 : memref<640xf32, #tpu.memory_space<vmem_shared>>) target(%dma_start3A_11 : memref<640xf32, #tpu.memory_space<hbm>>) target_semaphore(%run_scoped3A : memref<!tpu.dma_semaphore, #tpu.memory_space<semaphore_mem>>)
      %dma_wait3A = tpu.memref_slice %arg5[%arg0, %mul3A_10] : memref<2x10240xf32, #tpu.memory_space<hbm>> -> memref<1x640xf32, #tpu.memory_space<hbm>>
      %dma_wait3A_13 = tpu.memref_squeeze %dma_wait3A : memref<1x640xf32, #tpu.memory_space<hbm>> -> memref<640xf32, #tpu.memory_space<hbm>>
      %dma_wait3A_14 = tpu.memref_slice %arg8[%mul3A_8] : memref<10240xf32, #tpu.memory_space<vmem_shared>> -> memref<640xf32, #tpu.memory_space<vmem_shared>>
      tpu.wait_dma2 semaphore(%run_scoped3A : memref<!tpu.dma_semaphore, #tpu.memory_space<semaphore_mem>>) src(%dma_wait3A_14 : memref<640xf32, #tpu.memory_space<vmem_shared>>) dst(%dma_wait3A_13 : memref<640xf32, #tpu.memory_space<hbm>>)
      tpu.yield
    }) : () -> ()
    return
  }
}

module attributes {stable_mosaic.version = 14 : i64} {
  func.func @_epi_body(%arg0: i32, %arg1: memref<2048x128xf32, #tpu.memory_space<vmem>>, %arg2: memref<2048x128xf32, #tpu.memory_space<vmem>>, %arg3: memref<2x10240xf32, #tpu.memory_space<vmem>>, %arg4: memref<1x128xf32, #tpu.memory_space<vmem>>, %arg5: memref<1x128xf32, #tpu.memory_space<vmem>>, %arg6: memref<2048x128xf32, #tpu.memory_space<vmem>>) attributes {dimension_semantics = [#tpu.dimension_semantics<arbitrary>], iteration_bounds = array<i64: 5>, scalar_prefetch = 0 : i64, scratch_operands = 0 : i64, tpu.core_type = #tpu.core_type<tc>, window_params = [{transform_indices = @transform_0, window_bounds = array<i64: 2048, 128>}, {transform_indices = @transform_1, window_bounds = array<i64: 2048, 128>}, {pipeline_mode = #tpu.pipeline_mode<synchronous>, transform_indices = @transform_2, window_bounds = array<i64: 2, 10240>}, {pipeline_mode = #tpu.pipeline_mode<synchronous>, transform_indices = @transform_3, window_bounds = array<i64: 1, 128>}, {pipeline_mode = #tpu.pipeline_mode<synchronous>, transform_indices = @transform_4, window_bounds = array<i64: 1, 128>}, {transform_indices = @transform_5, window_bounds = array<i64: 2048, 128>}]} {
    %mul3A = arith.constant 2048 : i32
    %mul3A_0 = arith.muli %arg0, %mul3A : i32
    %get3A = arith.constant 0 : index
    %get3A_1 = arith.index_cast %mul3A_0 : i32 to index
    %get3A_2 = vector.load %arg3[%get3A, %get3A_1] : memref<2x10240xf32, #tpu.memory_space<vmem>>, vector<1x2048xf32>
    %get3A_3 = vector.shape_cast %get3A_2 : vector<1x2048xf32> to vector<2048xf32>
    %mul3A_4 = arith.constant 2048 : i32
    %mul3A_5 = arith.muli %arg0, %mul3A_4 : i32
    %get3A_6 = arith.constant 1 : index
    %get3A_7 = arith.index_cast %mul3A_5 : i32 to index
    %get3A_8 = vector.load %arg3[%get3A_6, %get3A_7] : memref<2x10240xf32, #tpu.memory_space<vmem>>, vector<1x2048xf32>
    %get3A_9 = vector.shape_cast %get3A_8 : vector<1x2048xf32> to vector<2048xf32>
    %gt3A = arith.constant 0.000000e+00 : f32
    %gt3A_10 = vector.broadcast %gt3A : f32 to vector<2048xf32>
    %gt3A_11 = arith.cmpf ogt, %get3A_3, %gt3A_10 : vector<2048xf32>
    %rsqrt3A = math.rsqrt %get3A_3 : vector<2048xf32>
    %jit3A = arith.constant 0.000000e+00 : f32
    %broadcast_in_dim3A = vector.broadcast %jit3A : f32 to vector<2048xf32>
    %select_n3A = arith.select %gt3A_11, %rsqrt3A, %broadcast_in_dim3A : vector<2048xi1>, vector<2048xf32>
    %gt3A_12 = arith.constant 0.000000e+00 : f32
    %gt3A_13 = vector.broadcast %gt3A_12 : f32 to vector<2048xf32>
    %gt3A_14 = arith.cmpf ogt, %get3A_9, %gt3A_13 : vector<2048xf32>
    %rsqrt3A_15 = math.rsqrt %get3A_9 : vector<2048xf32>
    %jit3A_16 = arith.constant 0.000000e+00 : f32
    %broadcast_in_dim3A_17 = vector.broadcast %jit3A_16 : f32 to vector<2048xf32>
    %select_n3A_18 = arith.select %gt3A_14, %rsqrt3A_15, %broadcast_in_dim3A_17 : vector<2048xi1>, vector<2048xf32>
    %get3A_19 = arith.constant 0 : index
    %get3A_20 = arith.constant 0 : index
    %get3A_21 = vector.load %arg4[%get3A_19, %get3A_20] : memref<1x128xf32, #tpu.memory_space<vmem>>, vector<1x128xf32>
    %mul3A_22 = arith.constant 5.000000e-01 : f32
    %mul3A_23 = vector.broadcast %mul3A_22 : f32 to vector<1x128xf32>
    %mul3A_24 = arith.mulf %mul3A_23, %get3A_21 : vector<1x128xf32>
    %get3A_25 = arith.constant 0 : index
    %get3A_26 = arith.constant 0 : index
    %get3A_27 = vector.load %arg5[%get3A_25, %get3A_26] : memref<1x128xf32, #tpu.memory_space<vmem>>, vector<1x128xf32>
    %mul3A_28 = arith.constant 5.000000e-01 : f32
    %mul3A_29 = vector.broadcast %mul3A_28 : f32 to vector<1x128xf32>
    %mul3A_30 = arith.mulf %mul3A_29, %get3A_27 : vector<1x128xf32>
    %add3A = arith.addf %mul3A_24, %mul3A_30 : vector<1x128xf32>
    %get3A_31 = arith.constant 0 : index
    %get3A_32 = arith.constant 0 : index
    %get3A_33 = vector.load %arg1[%get3A_31, %get3A_32] : memref<2048x128xf32, #tpu.memory_space<vmem>>, vector<2048x128xf32>
    %broadcast_in_dim3A_34 = vector.shape_cast %select_n3A : vector<2048xf32> to vector<2048x1xf32>
    %mul3A_35 = vector.broadcast %broadcast_in_dim3A_34 : vector<2048x1xf32> to vector<2048x128xf32>
    %mul3A_36 = arith.mulf %get3A_33, %mul3A_35 : vector<2048x128xf32>
    %get3A_37 = arith.constant 0 : index
    %get3A_38 = arith.constant 0 : index
    %get3A_39 = vector.load %arg2[%get3A_37, %get3A_38] : memref<2048x128xf32, #tpu.memory_space<vmem>>, vector<2048x128xf32>
    %broadcast_in_dim3A_40 = vector.shape_cast %select_n3A_18 : vector<2048xf32> to vector<2048x1xf32>
    %mul3A_41 = vector.broadcast %broadcast_in_dim3A_40 : vector<2048x1xf32> to vector<2048x128xf32>
    %mul3A_42 = arith.mulf %get3A_39, %mul3A_41 : vector<2048x128xf32>
    %add3A_43 = arith.addf %mul3A_36, %mul3A_42 : vector<2048x128xf32>
    %add3A_44 = vector.broadcast %add3A : vector<1x128xf32> to vector<2048x128xf32>
    %add3A_45 = arith.addf %add3A_43, %add3A_44 : vector<2048x128xf32>
    %swap3A = arith.constant 0 : index
    %swap3A_46 = arith.constant 0 : index
    %swap3A_47 = vector.load %arg6[%swap3A, %swap3A_46] : memref<2048x128xf32, #tpu.memory_space<vmem>>, vector<2048x128xf32>
    tpu.vector_store %arg6[%swap3A, %swap3A_46], %add3A_45 {strides = array<i32>} : memref<2048x128xf32, #tpu.memory_space<vmem>>, vector<2048x128xf32>,
    return
  }
  func.func @transform_0(%arg0: i32) -> (i32, i32) {
    %c0_i32 = arith.constant 0 : i32
    %c0_i32_0 = arith.constant 0 : i32
    return %arg0, %c0_i32 : i32, i32
  }
  func.func @transform_1(%arg0: i32) -> (i32, i32) {
    %c0_i32 = arith.constant 0 : i32
    %c0_i32_0 = arith.constant 0 : i32
    return %arg0, %c0_i32 : i32, i32
  }
  func.func @transform_2(%arg0: i32) -> (i32, i32) {
    %c0_i32 = arith.constant 0 : i32
    %c0_i32_0 = arith.constant 0 : i32
    %c0_i32_1 = arith.constant 0 : i32
    return %c0_i32, %c0_i32_0 : i32, i32
  }
  func.func @transform_3(%arg0: i32) -> (i32, i32) {
    %c0_i32 = arith.constant 0 : i32
    %c0_i32_0 = arith.constant 0 : i32
    %c0_i32_1 = arith.constant 0 : i32
    return %c0_i32, %c0_i32_0 : i32, i32
  }
  func.func @transform_4(%arg0: i32) -> (i32, i32) {
    %c0_i32 = arith.constant 0 : i32
    %c0_i32_0 = arith.constant 0 : i32
    %c0_i32_1 = arith.constant 0 : i32
    return %c0_i32, %c0_i32_0 : i32, i32
  }
  func.func @transform_5(%arg0: i32) -> (i32, i32) {
    %c0_i32 = arith.constant 0 : i32
    %c0_i32_0 = arith.constant 0 : i32
    return %arg0, %c0_i32 : i32, i32
  }
}

module attributes {stable_mosaic.version = 14 : i64} {
  func.func @_proj_body(%arg0: i32, %arg1: memref<2048x128xf32, #tpu.memory_space<vmem>>, %arg2: memref<128x128xf32, #tpu.memory_space<vmem>>, %arg3: memref<128x128xf32, #tpu.memory_space<vmem>>, %arg4: memref<2x10240xf32, #tpu.memory_space<vmem>>, %arg5: memref<2048x128xf32, #tpu.memory_space<vmem>>, %arg6: memref<2048x128xf32, #tpu.memory_space<vmem>>) attributes {dimension_semantics = [#tpu.dimension_semantics<arbitrary>], iteration_bounds = array<i64: 5>, scalar_prefetch = 0 : i64, scratch_operands = 0 : i64, tpu.core_type = #tpu.core_type<tc>, window_params = [{transform_indices = @transform_0, window_bounds = array<i64: 2048, 128>}, {pipeline_mode = #tpu.pipeline_mode<synchronous>, transform_indices = @transform_1, window_bounds = array<i64: 128, 128>}, {pipeline_mode = #tpu.pipeline_mode<synchronous>, transform_indices = @transform_2, window_bounds = array<i64: 128, 128>}, {pipeline_mode = #tpu.pipeline_mode<synchronous>, transform_indices = @transform_3, window_bounds = array<i64: 2, 10240>}, {transform_indices = @transform_4, window_bounds = array<i64: 2048, 128>}, {transform_indices = @transform_5, window_bounds = array<i64: 2048, 128>}]} {
    %get3A = arith.constant 0 : index
    %get3A_0 = arith.constant 0 : index
    %get3A_1 = vector.load %arg1[%get3A, %get3A_0] : memref<2048x128xf32, #tpu.memory_space<vmem>>, vector<2048x128xf32>
    %mul3A = arith.constant 2048 : i32
    %mul3A_2 = arith.muli %arg0, %mul3A : i32
    %get3A_3 = arith.constant 0 : index
    %get3A_4 = arith.index_cast %mul3A_2 : i32 to index
    %get3A_5 = vector.load %arg4[%get3A_3, %get3A_4] : memref<2x10240xf32, #tpu.memory_space<vmem>>, vector<1x2048xf32>
    %get3A_6 = vector.shape_cast %get3A_5 : vector<1x2048xf32> to vector<2048xf32>
    %mul3A_7 = arith.constant 2048 : i32
    %mul3A_8 = arith.muli %arg0, %mul3A_7 : i32
    %get3A_9 = arith.constant 1 : index
    %get3A_10 = arith.index_cast %mul3A_8 : i32 to index
    %get3A_11 = vector.load %arg4[%get3A_9, %get3A_10] : memref<2x10240xf32, #tpu.memory_space<vmem>>, vector<1x2048xf32>
    %get3A_12 = vector.shape_cast %get3A_11 : vector<1x2048xf32> to vector<2048xf32>
    %gt3A = arith.constant 0.000000e+00 : f32
    %gt3A_13 = vector.broadcast %gt3A : f32 to vector<2048xf32>
    %gt3A_14 = arith.cmpf ogt, %get3A_6, %gt3A_13 : vector<2048xf32>
    %rsqrt3A = math.rsqrt %get3A_6 : vector<2048xf32>
    %jit3A = arith.constant 0.000000e+00 : f32
    %broadcast_in_dim3A = vector.broadcast %jit3A : f32 to vector<2048xf32>
    %select_n3A = arith.select %gt3A_14, %rsqrt3A, %broadcast_in_dim3A : vector<2048xi1>, vector<2048xf32>
    %gt3A_15 = arith.constant 0.000000e+00 : f32
    %gt3A_16 = vector.broadcast %gt3A_15 : f32 to vector<2048xf32>
    %gt3A_17 = arith.cmpf ogt, %get3A_12, %gt3A_16 : vector<2048xf32>
    %rsqrt3A_18 = math.rsqrt %get3A_12 : vector<2048xf32>
    %jit3A_19 = arith.constant 0.000000e+00 : f32
    %broadcast_in_dim3A_20 = vector.broadcast %jit3A_19 : f32 to vector<2048xf32>
    %select_n3A_21 = arith.select %gt3A_17, %rsqrt3A_18, %broadcast_in_dim3A_20 : vector<2048xi1>, vector<2048xf32>
    %get3A_22 = arith.constant 0 : index
    %get3A_23 = arith.constant 0 : index
    %get3A_24 = vector.load %arg2[%get3A_22, %get3A_23] : memref<128x128xf32, #tpu.memory_space<vmem>>, vector<128x128xf32>
    %dot_general3A = arith.constant dense<0.000000e+00> : vector<2048x128xf32>
    %dot_general3A_25 = tpu.matmul %get3A_1, %get3A_24, %dot_general3A {dimension_numbers = #tpu.dot_dimension_numbers<[1], [1], [0], [0], [0, 0, 1, 0], [], []>, transpose_lhs_hint = false} : vector<2048x128xf32>, vector<128x128xf32>, vector<2048x128xf32> -> vector<2048x128xf32>
    %get3A_26 = arith.constant 0 : index
    %get3A_27 = arith.constant 0 : index
    %get3A_28 = vector.load %arg3[%get3A_26, %get3A_27] : memref<128x128xf32, #tpu.memory_space<vmem>>, vector<128x128xf32>
    %dot_general3A_29 = arith.constant dense<0.000000e+00> : vector<2048x128xf32>
    %dot_general3A_30 = tpu.matmul %get3A_1, %get3A_28, %dot_general3A_29 {dimension_numbers = #tpu.dot_dimension_numbers<[1], [1], [0], [0], [0, 0, 1, 0], [], []>, transpose_lhs_hint = false} : vector<2048x128xf32>, vector<128x128xf32>, vector<2048x128xf32> -> vector<2048x128xf32>
    %mul3A_31 = arith.constant 5.000000e-01 : f32
    %mul3A_32 = vector.broadcast %mul3A_31 : f32 to vector<2048x128xf32>
    %mul3A_33 = arith.mulf %mul3A_32, %dot_general3A_25 : vector<2048x128xf32>
    %broadcast_in_dim3A_34 = vector.shape_cast %select_n3A_21 : vector<2048xf32> to vector<2048x1xf32>
    %mul3A_35 = vector.broadcast %broadcast_in_dim3A_34 : vector<2048x1xf32> to vector<2048x128xf32>
    %mul3A_36 = arith.mulf %mul3A_33, %mul3A_35 : vector<2048x128xf32>
    %swap3A = arith.constant 0 : index
    %swap3A_37 = arith.constant 0 : index
    %swap3A_38 = vector.load %arg5[%swap3A, %swap3A_37] : memref<2048x128xf32, #tpu.memory_space<vmem>>, vector<2048x128xf32>
    tpu.vector_store %arg5[%swap3A, %swap3A_37], %mul3A_36 {strides = array<i32>} : memref<2048x128xf32, #tpu.memory_space<vmem>>, vector<2048x128xf32>,
    %mul3A_39 = arith.constant 5.000000e-01 : f32
    %mul3A_40 = vector.broadcast %mul3A_39 : f32 to vector<2048x128xf32>
    %mul3A_41 = arith.mulf %mul3A_40, %dot_general3A_30 : vector<2048x128xf32>
    %broadcast_in_dim3A_42 = vector.shape_cast %select_n3A : vector<2048xf32> to vector<2048x1xf32>
    %mul3A_43 = vector.broadcast %broadcast_in_dim3A_42 : vector<2048x1xf32> to vector<2048x128xf32>
    %mul3A_44 = arith.mulf %mul3A_41, %mul3A_43 : vector<2048x128xf32>
    %swap3A_45 = arith.constant 0 : index
    %swap3A_46 = arith.constant 0 : index
    %swap3A_47 = vector.load %arg6[%swap3A_45, %swap3A_46] : memref<2048x128xf32, #tpu.memory_space<vmem>>, vector<2048x128xf32>
    tpu.vector_store %arg6[%swap3A_45, %swap3A_46], %mul3A_44 {strides = array<i32>} : memref<2048x128xf32, #tpu.memory_space<vmem>>, vector<2048x128xf32>,
    return
  }
  func.func @transform_0(%arg0: i32) -> (i32, i32) {
    %c0_i32 = arith.constant 0 : i32
    %c0_i32_0 = arith.constant 0 : i32
    return %arg0, %c0_i32 : i32, i32
  }
  func.func @transform_1(%arg0: i32) -> (i32, i32) {
    %c0_i32 = arith.constant 0 : i32
    %c0_i32_0 = arith.constant 0 : i32
    %c0_i32_1 = arith.constant 0 : i32
    return %c0_i32, %c0_i32_0 : i32, i32
  }
  func.func @transform_2(%arg0: i32) -> (i32, i32) {
    %c0_i32 = arith.constant 0 : i32
    %c0_i32_0 = arith.constant 0 : i32
    %c0_i32_1 = arith.constant 0 : i32
    return %c0_i32, %c0_i32_0 : i32, i32
  }
  func.func @transform_3(%arg0: i32) -> (i32, i32) {
    %c0_i32 = arith.constant 0 : i32
    %c0_i32_0 = arith.constant 0 : i32
    %c0_i32_1 = arith.constant 0 : i32
    return %c0_i32, %c0_i32_0 : i32, i32
  }
  func.func @transform_4(%arg0: i32) -> (i32, i32) {
    %c0_i32 = arith.constant 0 : i32
    %c0_i32_0 = arith.constant 0 : i32
    return %arg0, %c0_i32 : i32, i32
  }
  func.func @transform_5(%arg0: i32) -> (i32, i32) {
    %c0_i32 = arith.constant 0 : i32
    %c0_i32_0 = arith.constant 0 : i32
    return %arg0, %c0_i32 : i32, i32
  }
}

</mosaic_0001>

<sc_bundles>
// kernel: kernel.6.cloned.1.call-start
scs
__scs_entry_jumppad:
0x0: {  	(pc) =	sbr.rel $0x88, $3  }
0x1: {  	(tag) =	ssettag $0x0;
	lr =	simm.s32 $0x1  }
0x2: {  	[smem:$0x3F9B] =	sst lr;
	_ =	strace $0xD0000000  }
0x3: {  	_ = 	snop  }
0x4: {  	_ = 	snop  }
0x5: {  	_ = 	snop  }
0x6: {  	_ = 	snop  }
0x7: {  	_ = 	snop  }
__scs_overlays_trampoline_lowered:
0x8: {  	[smem:$0x3FAA] =	sst s0  }
0x9: {  	[smem:$0x3FAB] =	sst s1  }
0xa: {  	[smem:$0x3FAC] =	sst s2  }
0xb: {  	[smem:$0x3FAD] =	sst s3  }
0xc: {  	[smem:$0x3FAE] =	sst s4  }
0xd: {  	[smem:$0x3FAF] =	sst s5  }
0xe: {  	[smem:$0x3FB0] =	sst s6  }
0xf: {  	[smem:$0x3FB1] =	sst s7  }
0x10: {  	[smem:$0x3FB2] =	sst s8  }
0x11: {  	[smem:$0x3FB3] =	sst s9;
	s0 =	simm.s32 @!p0 $0x0  }
0x12: {  	s1 =	sld [smem:$0x3F99];
	s0 =	simm.s32 @p0 $0x1  }
0x13: {  	[smem:$0x3FB4] =	sst s0;
	s0 =	simm.s32 @!p1 $0x0  }
0x14: {  	s2 =	sld [smem:$0x3F98];
	s0 =	simm.s32 @p1 $0x1  }
0x15: {  	[smem:$0x3FB5] =	sst s0;
	s0 =	simm.s32 @!p2 $0x0  }
0x16: {  	s3 =	sld [smem:$0x3FDB];
	s0 =	simm.s32 @p2 $0x1  }
0x17: {  	s4 =	simm.s32 $0x1BF5;
	[smem:$0x3FB7] =	sst s0  }
0x18: {  	s0 =	sld [smem:$0x3F9A];
	_ =	swait.ge [sflag:s4], $0x0  }
0x19: {  	s7 =	sld [smem:$0x3F9B]  }
0x1a: {  	s8 =	sadd.s32 $0xFFFFE003, lr  }
0x1b: {  	s9 =	sadd.s32 $0xFFFFFEF7, lr;
	s5 =	simm.s32 $0xFFFFFFFF;
	p2 =	slt.u32 s8, $0xFFFFF086  }
0x1c: {  	p1 =	slt.u32 s9, $0xF7A;
	s5 =	simm.s32 @!p2 $0x0  }
0x1d: {  	s5 =	simm.s32 @p1 $0x1;
	p0 =	seq.s32 s7, s2  }
0x1e: {  	s7 =	smul.u32 @!p0 $0xF7A, s2;
	p2 =	seq.s32 @!p0 s5, $0x0  }
0x1f: {  	s9 =	smul.u32 $0xF7A, s1;
	s8 =	simm.s32 @!p0 $0x1BF5;
	p2 =	por !p2, p0  }
0x20: {  	[sflag:s8] =	ssyncset.s32 @!p0 $0xFFFFF086;
	s6 =	sadd.s32 @!p0 s3, s7;
	s7 =	simm.s32 @!p0 $0x108  }
0x21: {  	s3 =	sadd.s32 s3, s9;
	s6 =	sadd.s32 @!p0 $0x88, s6;
	s7 =	simm.s32 @p2 $0x1082  }
0x22: {  	[simem:s7], [sflag:s8] =	dma.local @!p0 [hbm:s6], $0xF7A  }
0x23: {  	s9 =	sor.u32 $0xD0000000, s2;
	s6 =	simm.s32 $0x108;
	_ =	swait.ge @!p0 [sflag:s8], $0x0  }
0x24: {  	s3 =	sadd.s32 $0x88, s3;
	s6 =	simm.s32 @!p1 $0x1082;
	[sflag:s4] =	ssyncset.s32 $0xFFFFF086  }
0x25: {  	[simem:s6], [sflag:s4] =	dma.local [hbm:s3], $0xF7A  }
0x26: {  	[smem:$0x3F9B] =	sst s1;
	(tag) =	ssettag s2;
	_ =	strace s9  }
0x27: {  	s1 =	sld [smem:$0x3FAB]  }
0x28: {  	s2 =	sld [smem:$0x3FAC]  }
0x29: {  	s4 =	sld [smem:$0x3FAE]  }
0x2a: {  	p0 =	seq.s32 s5, $0x0;
	s5 =	sld [smem:$0x3FAF]  }
0x2b: {  	s6 =	sld [smem:$0x3FB0]  }
0x2c: {  	s7 =	sld [smem:$0x3FB1]  }
0x2d: {  	s3 =	simm.s32 $0x108;
	s8 =	sld [smem:$0x3FB2]  }
0x2e: {  	s3 =	simm.s32 @!p0 $0x1082;
	s9 =	sld [smem:$0x3FB3]  }
0x2f: {  	lr =	sadd.s32 s0, s3;
	s0 =	sld [smem:$0x3FAA]  }
0x30: {  	s3 =	sld [smem:$0x3FAD]  }
0x31: {  	[smem:$0x3FB6] =	sst s10  }
0x32: {  	s10 =	sld [smem:$0x3FB4];
	_ =	sdelay $0x3  }
0x33: {  	p0 =	seq.s32 s10, $0x1;
	s10 =	sld [smem:$0x3FB6];
	_ =	sdelay $0x3  }
0x34: {  	[smem:$0x3FB6] =	sst s10  }
0x35: {  	s10 =	sld [smem:$0x3FB5];
	_ =	sdelay $0x3  }
0x36: {  	p1 =	seq.s32 s10, $0x1;
	s10 =	sld [smem:$0x3FB6];
	_ =	sdelay $0x3  }
0x37: {  	[smem:$0x3FB6] =	sst s10  }
0x38: {  	s10 =	sld [smem:$0x3FB7]  }
0x39: {  	_ = 	snop;
	(pc) =	sbr.ind lr, $3  }
0x3a: {  	_ = 	snop  }
0x3b: {  	_ = 	snop  }
0x3c: {  	p2 =	seq.s32 s10, $0x1;
	s10 =	sld [smem:$0x3FB6]  }
0x3d: {  	_ =	shalt  }
0x3e: {  	_ =	shalt  }
0x3f: {  	_ =	shalt  }
0x40: {  	_ =	shalt  }
0x41: {  	_ =	shalt  }
0x42: {  	_ =	shalt  }
0x43: {  	_ =	shalt  }
0x44: {  	_ =	shalt  }
0x45: {  	_ =	shalt  }
0x46: {  	_ =	shalt  }
0x47: {  	_ =	shalt  }
0x48: {  	_ =	shalt  }
0x49: {  	_ =	shalt  }
0x4a: {  	_ =	shalt  }
0x4b: {  	_ =	shalt  }
0x4c: {  	_ =	shalt  }
0x4d: {  	_ =	shalt  }
0x4e: {  	_ =	shalt  }
0x4f: {  	_ =	shalt  }
0x50: {  	_ =	shalt  }
0x51: {  	_ =	shalt  }
0x52: {  	_ =	shalt  }
0x53: {  	_ =	shalt  }
0x54: {  	_ =	shalt  }
0x55: {  	_ =	shalt  }
0x56: {  	_ =	shalt  }
0x57: {  	_ =	shalt  }
0x58: {  	_ =	shalt  }
0x59: {  	_ =	shalt  }
0x5a: {  	_ =	shalt  }
0x5b: {  	_ =	shalt  }
0x5c: {  	_ =	shalt  }
0x5d: {  	_ =	shalt  }
0x5e: {  	_ =	shalt  }
0x5f: {  	_ =	shalt  }
0x60: {  	_ =	shalt  }
0x61: {  	_ =	shalt  }
0x62: {  	_ =	shalt  }
0x63: {  	_ =	shalt  }
0x64: {  	_ =	shalt  }
0x65: {  	_ =	shalt  }
0x66: {  	_ =	shalt  }
0x67: {  	_ =	shalt  }
0x68: {  	_ =	shalt  }
0x69: {  	_ =	shalt  }
0x6a: {  	_ =	shalt  }
0x6b: {  	_ =	shalt  }
0x6c: {  	_ =	shalt  }
0x6d: {  	_ =	shalt  }
0x6e: {  	_ =	shalt  }
0x6f: {  	_ =	shalt  }
0x70: {  	_ =	shalt  }
0x71: {  	_ =	shalt  }
0x72: {  	_ =	shalt  }
0x73: {  	_ =	shalt  }
0x74: {  	_ =	shalt  }
0x75: {  	_ =	shalt  }
0x76: {  	_ =	shalt  }
0x77: {  	_ =	shalt  }
0x78: {  	_ =	shalt  }
0x79: {  	_ =	shalt  }
0x7a: {  	_ =	shalt  }
0x7b: {  	_ =	shalt  }
0x7c: {  	_ =	shalt  }
0x7d: {  	_ =	shalt  }
0x7e: {  	_ =	shalt  }
0x7f: {  	_ =	shalt  }
0x80: {  	_ =	shalt  }
0x81: {  	_ =	shalt  }
0x82: {  	_ =	shalt  }
0x83: {  	_ =	shalt  }
0x84: {  	_ =	shalt  }
0x85: {  	_ =	shalt  }
0x86: {  	_ =	shalt  }
0x87: {  	_ =	shalt  }
.Lfunc_end0:
.L_simem_size_0:
called_computation_lowered:
.L_overlay_start_0:
0x88: {  	s2 =	sld [smem:$0x3FD9]  }
0x89: {  	s3 =	sld [smem:$0x3FFE];
	_ =	sdelay $0x1  }
0x8a: {  	s1 =	srdreg.scid  }
0x8b: {  	s0 =	sand.u32 $0x1, s1  }
0x8c: {  	s17 =	sshll.u32 s0, $0xA;
	s2 =	sadd.s32 s3, s2  }
0x8d: {  	s2 =	sadd.s32 s2, s17  }
0x8e: {  	[smem:$0x3FC2] =	sst s2  }
0x8f: {  	_ = 	snop  }
0x90: {  	s2 =	sld [smem:$0x3FD0];
	(tm) =	ssettm $0x1  }
0x91: {  	s18 =	sld [smem:$0x3FFB];
	_ =	sdelay $0x3  }
0x92: {  	_ =	strace s18  }
0x93: {  	s3 =	sld [smem:$0x3FFC];
	_ =	sdelay $0x3  }
0x94: {  	_ =	strace s3  }
0x95: {  	s3 =	sld [smem:$0x3FFD];
	_ =	sdelay $0x3  }
0x96: {  	_ =	strace s3  }
0x97: {  	_ =	strace $0x8FFFFFFF  }
0x98: {  	s19 =	sld [smem:$0x3FDB];
	_ =	sdelay $0x1  }
0x99: {  	s4 =	simm.s32 $_scs_section_size  }
0x9a: {  	s5 =	simm.s32 $_size__tile_overlayer_lowered;
	s6 =	simm.s32 $_tile_overlayer_lowered  }
0x9b: {  	s22 =	simm.s32 $0x1BFF;
	s21 =	sshll.u32 s6, $0x1;
	s3 =	sadd.s32 s4, s19  }
0x9c: {  	s7 =	simm.s32 $0x0;
	s20 =	sshll.u32 s5, $0x1;
	s5 =	sadd.s32 s21, s3  }
0x9d: {  	[timem:s7], [sflag:s22] =	dma.local [hbm:s5], s20  }
0x9e: {  	_ =	swait.ge [sflag:s22], s20  }
0x9f: {  	s4 =	ssub.s32 $0x0, s20;
	[sflag:s22] =	ssyncset.done $0x0  }
0xa0: {  	[sflag:s22] =	ssyncadd.s32 s4;
	_ =	sdelay $0x1  }
0xa1: {  	s23 =	simm.s32 $0x1B8B  }
0xa2: {  	_ =	swait.ge [sflag:s23], $0x1  }
0xa3: {  	[sflag:s23] =	ssyncset.done $0x0  }
0xa4: {  	s25 =	simm.s32 $0x1B8E;
	s24 =	sld [smem:$0x3FFE];
	[sflag:s23] =	ssyncadd.s32 $0xFFFFFFFF  }
0xa5: {  	s26 =	simm.s32 $execute0_lowered;
	[smem:$0x3FD2] =	sst s25  }
0xa6: {  	s5 =	sshll.u32 s26, $0x1;
	_ =	strace $0x80000046;
	[dreg:$0x1] =	wrdreg $0xFFFFFFFF  }
0xa7: {  	s28 =	simm.s32 $_size_execute0_lowered;
	s3 =	sadd.s32 s3, s5;
	[dreg:$0x0] =	wrdreg $0x0  }
0xa8: {  	s5 =	sshll.u32 s28, $0x1;
	[dreg:$0x2] =	wrdreg s3  }
0xa9: {  	[dreg:$0x3] =	wrdreg s5  }
0xaa: {  	[dreg:$0x4] =	wrdreg $0xC0  }
0xab: {  	_ =	task [dreg:s7], $0x5FFFF  }
0xac: {  	[dreg:$0x1] =	wrdreg $0xFFFFFFFF  }
0xad: {  	[dreg:$0x0] =	wrdreg $0x60  }
0xae: {  	[dreg:$0x2] =	wrdreg s24  }
0xaf: {  	[dreg:$0x3] =	wrdreg s2  }
0xb0: {  	[dreg:$0x4] =	wrdreg $0x50800  }
0xb1: {  	[dreg:$0x5] =	wrdreg $0x9  }
0xb2: {  	_ =	task.clear_ibuf [dreg:s7], $0x6FFFF;
	_ =	strace $0x90000046  }
0xb3: {  	s29 =	simm.s32 $0x9;
	_ =	strace $0x80000048  }
0xb4: {  	_ =	swait.ge [sflag:s29], $0x1  }
0xb5: {  	[sflag:s29] =	ssyncadd.s32 $0xFFFFFFFF  }
0xb6: {  	_ =	strace $0x90000048  }
0xb7: {  	_ =	sfence  }
0xb8: {  	s30 =	sld [smem:$0x0];
	_ =	sdelay $0x2  }
0xb9: {  	s31 =	sshll.u32 s1, $0xD;
	s1 =	sshrl.u32 s1, $0x2  }
0xba: {  	s3 =	sand.u32 $0x4000, s31;
	s1 =	sadd.s32 s1, s30  }
0xbb: {  	s0 =	sor.u32 s3, s0;
	s1 =	sshll.u32 s1, $0x11  }
0xbc: {  	s0 =	sor.u32 s1, s0  }
0xbd: {  	s0 =	sadd.s32 $0x8F2B, s0  }
0xbe: {  	[sflag:s0] =	ssyncadd.remote.s32 $0x1  }
0xbf: {  	_ =	sfence.sel $0xFFFF  }
0xc0: {  	[dreg:$0x0] =	wrdreg $0xFFFFFFFF;
	(pc) =	sbr.abs _section_cstart, $3  }
0xc1: {  	[dreg:$0x1] =	wrdreg $0xFFFFFFFF  }
0xc2: {  	_ =	task.clear_ibuf [dreg:s7], $0x2FFFF;
	_ =	strace $0x9FFFFFFF  }
0xc3: {  	(tm) =	ssettm $0x7FFFFFFF  }
tec
execute0_lowered:
.L_overlay_start_1:
0x0: {  	(tag) =	ssettag $0x1  }
0x1: {  	s5 =	rddreg [dreg:$0x0]  }
0x2: {  	s8 =	rddreg [dreg:$0x1]  }
0x3: {  	s2 =	rddreg [dreg:$0x2]  }
0x4: {  	s0 =	srdreg.scid;
	s1 =	rddreg [dreg:$0x3];
	s3 =	simm.s32 $0x0  }
0x5: {  	s13 =	simm.s32 $0x7D;
	s14 =	simm.s32 $0x20;
	s6 =	sand.u32 $0x1, s0  }
0x6: {  	s15 =	simm.s32 $0x10;
	s0 =	stileid.u32;
	s4 =	smul.u32 $0x50000, s6  }
0x7: {  	s16 =	simm.s32 $0x0;
	[smem:$0x7FF] =	sst s3;
	s7 =	smul.u32 $0x5000, s0  }
0x8: {  	_ =	strace $0x80000047;
	s9 =	ssub.s32 $0x2, s6;
	s10 =	smul.u32 $0xA00, s0  }
0x9: {  	s12 =	smul.u32 $0x500, s0;
	s6 =	sshll.u32 s6, $0x7;
	s11 =	sshrl.u32 s9, $0x1  }
0xa: {  	s30 =	sshll.u32 s0, $0x6;
	s4 =	sadd.s32 s7, s4;
	s9 =	ssub.s32 s9, s11  }
0xb: {  	s10 =	sshrl.u32 s10, $0x2;
	s12 =	sor.u32 s6, s12;
	s6 =	sor.u32 $0x1C01, s30  }
0xc: {  	s11 =	simm.s32 $0x1;
	s4 =	sshrl.u32 s4, $0x3;
	s10 =	sadd.s32 s10, s2  }
0xd: {  	s31 =	sshrl.u32 s12, $0x3;
	s9 =	smax.u32 s9, $0x1;
	s12 =	simm.s32 $0x5000  }
0xe: {  	s29 =	sadd.s32 s4, s5;
	s4 =	sadd.s32 $0x16A00, s5;
	s5 =	sadd.s32 $0x16800, s5  }
0xf: {  	s8 =	sadd.s32 s8, s31;
	s10 =	sshrl.u32 s10, $0x3;
	s7 =	sadd.s32 $0x2800, s29  }
.LBB2_1:
0x10: {  	[spmem:s10], [sflag:s6] =	dma.local [hbm:s4], $0x50  }
0x11: {  	_ =	swait.ge [sflag:s11], $0x50  }
0x12: {  	[sflag:s11] =	ssyncset.done $0x0  }
0x13: {  	[sflag:s11] =	ssyncadd.s32 $0xFFFFFFB0  }
0x14: {  	[tilespmem:s12], [sflag:$0x1] =	stream.linear.gather [hbm4b:s5+s3], $0x80, $0x38;
	[tilespmem:$0x5300] =	vst v63  }
0x15: {  	_ =	swait.ge [sflag:s11], $0x80  }
0x16: {  	[sflag:s11] =	ssyncset.done $0x0  }
0x17: {  	[sflag:s11] =	ssyncadd.s32 $0xFFFFFF80  }
0x18: {  	[tilespmem:s3], [sflag:$0x1] =	stream.linear.gather [hbm4b:s7+s3], $0x5000, $0x38;
	[tilespmem:$0x5300] =	vst v63  }
0x19: {  	_ =	swait.ge [sflag:s11], $0x5000  }
0x1a: {  	[sflag:s11] =	ssyncset.done $0x0  }
0x1b: {  	[sflag:s11] =	ssyncadd.s32 $0xFFFFB000  }
0x1c: {  	s17 =	simm.s32 $0x0;
	[bflag:$0x0] =	sbarrier.arrive $0xFFFF  }
0x1d: {  	[spmem:s2] =	stream.indirect.scatter.add.f32 [tilespmem:s12], [sflag:$0x1], $0x1, s17, s13, $0xb8;
	[tilespmem:$0x5300] =	vst v63  }
0x1e: {  	_ =	swait.ge [sflag:s11], $0x7D  }
0x1f: {  	s17 =	simm.s32 $0x200;
	[sflag:s11] =	ssyncset.done $0x0  }
.LBB2_2:
0x20: {  	s18 =	sshra.s32 s17, $0x2;
	[sflag:s11] =	ssyncadd.s32 $0xFFFFFF83;
	p0 =	sne.s32 s17, $0x13E00  }
0x21: {  	[spmem:s2] =	stream.indirect.scatter.add.f32 [tilespmem:s12], [sflag:$0x1], $0x1, s18, s13, $0xb8;
	[tilespmem:$0x5300] =	vst v63  }
.Ltmp0:
0x22: {  	_ = 	snop;
	(pc) =	sbr.rel @p0 .LBB2_2-.Ltmp0, $4  }
0x23: {  	_ = 	snop  }
0x24: {  	s17 =	sadd.s32 $0x200, s17  }
0x25: {  	_ =	swait.ge [sflag:s11], $0x7D  }
0x26: {  	[sflag:s11] =	ssyncset.done $0x0  }
0x27: {  	s16 =	sadd.s32 $0x1, s16  }
0x28: {  	[sflag:s11] =	ssyncadd.s32 $0xFFFFFF83;
	p0 =	sne.s32 s16, s9  }
.Ltmp1:
0x29: {  	[bflag:$0x0] =	sbarrier.arrive $0xFFFF;
	(pc) =	sbr.rel @p0 .LBB2_1-.Ltmp1, $4  }
0x2a: {  	[hbm:s8@s14], [sflag:s6] =	dma.strided [spmem:s10@s15], $0x50, s11, $0x10   }
0x2b: {  	_ =	swait.ge [sflag:s11], $0x50  }
0x2c: {  	[sflag:s11] =	ssyncset.done $0x0  }
0x2d: {  	[sflag:s11] =	ssyncadd.s32 $0xFFFFFFB0  }
0x2e: {  	_ =	sfence.sel $0x180000  }
0x2f: {  	[bflag:$0x0] =	sbarrier.arrive $0xFFFF  }
0x30: {  	p0 =	sne.s32 s0, $0x0;
	_ =	strace $0x90000047  }
0x31: {  	s0 =	sadd.s32 @!p0 $0x100000, s1;
	[bflag:$0x2] =	sbarrier.arrive $0xFFFF  }
0x32: {  	[sflag:s0] =	ssyncadd.tile.s32 @!p0 $0x1;
	_ =	shalt  }
.Lfunc_end2:
_tile_overlayer_lowered:
.L_overlay_start_2:
0x33: {  	(tag) =	ssettag $0x2  }
0x34: {  	s0 =	rddreg [dreg:$0x0];
	s2 =	stileid.u32  }
0x35: {  	s1 =	rddreg [dreg:$0x1];
	p0 =	sne.s32 s2, $0x0  }
0x36: {  	s3 =	rddreg [dreg:$0x2];
	[bflag:$0x3] =	sbarrier.arrive $0xFFFF;
	s2 =	simm.s32 @!p0 $0x1C01  }
0x37: {  	[timem:s3], [sflag:s2] =	dma.local @!p0 [hbm:s0], s1  }
0x38: {  	s0 =	simm.s32 @!p0 $0x1  }
0x39: {  	_ =	swait.ge @!p0 [sflag:s0], s1  }
0x3a: {  	s1 =	ssub.s32 @!p0 $0x0, s1;
	[sflag:s0] =	ssyncset.done @!p0 $0x0  }
0x3b: {  	[sflag:s0] =	ssyncadd.s32 @!p0 s1  }
0x3c: {  	[bflag:$0x3] =	sbarrier.arrive $0xFFFF  }
0x3d: {  	_ =	shalt  }

// kernel: kernel.9.cloned.1.call-start
scs
__scs_entry_jumppad:
0x0: {  	(pc) =	sbr.rel $0x88, $3  }
0x1: {  	(tag) =	ssettag $0x0;
	lr =	simm.s32 $0x1  }
0x2: {  	[smem:$0x3F9B] =	sst lr;
	_ =	strace $0xD0000000  }
0x3: {  	_ = 	snop  }
0x4: {  	_ = 	snop  }
0x5: {  	_ = 	snop  }
0x6: {  	_ = 	snop  }
0x7: {  	_ = 	snop  }
__scs_overlays_trampoline_lowered:
0x8: {  	[smem:$0x3FAA] =	sst s0  }
0x9: {  	[smem:$0x3FAB] =	sst s1  }
0xa: {  	[smem:$0x3FAC] =	sst s2  }
0xb: {  	[smem:$0x3FAD] =	sst s3  }
0xc: {  	[smem:$0x3FAE] =	sst s4  }
0xd: {  	[smem:$0x3FAF] =	sst s5  }
0xe: {  	[smem:$0x3FB0] =	sst s6  }
0xf: {  	[smem:$0x3FB1] =	sst s7  }
0x10: {  	[smem:$0x3FB2] =	sst s8  }
0x11: {  	[smem:$0x3FB3] =	sst s9;
	s0 =	simm.s32 @!p0 $0x0  }
0x12: {  	s1 =	sld [smem:$0x3F99];
	s0 =	simm.s32 @p0 $0x1  }
0x13: {  	[smem:$0x3FB4] =	sst s0;
	s0 =	simm.s32 @!p1 $0x0  }
0x14: {  	s2 =	sld [smem:$0x3F98];
	s0 =	simm.s32 @p1 $0x1  }
0x15: {  	[smem:$0x3FB5] =	sst s0;
	s0 =	simm.s32 @!p2 $0x0  }
0x16: {  	s3 =	sld [smem:$0x3FDB];
	s0 =	simm.s32 @p2 $0x1  }
0x17: {  	s4 =	simm.s32 $0x1BF5;
	[smem:$0x3FB7] =	sst s0  }
0x18: {  	s0 =	sld [smem:$0x3F9A];
	_ =	swait.ge [sflag:s4], $0x0  }
0x19: {  	s7 =	sld [smem:$0x3F9B]  }
0x1a: {  	s8 =	sadd.s32 $0xFFFFE003, lr  }
0x1b: {  	s9 =	sadd.s32 $0xFFFFFEF7, lr;
	s5 =	simm.s32 $0xFFFFFFFF;
	p2 =	slt.u32 s8, $0xFFFFF086  }
0x1c: {  	p1 =	slt.u32 s9, $0xF7A;
	s5 =	simm.s32 @!p2 $0x0  }
0x1d: {  	s5 =	simm.s32 @p1 $0x1;
	p0 =	seq.s32 s7, s2  }
0x1e: {  	s7 =	smul.u32 @!p0 $0xF7A, s2;
	p2 =	seq.s32 @!p0 s5, $0x0  }
0x1f: {  	s9 =	smul.u32 $0xF7A, s1;
	s8 =	simm.s32 @!p0 $0x1BF5;
	p2 =	por !p2, p0  }
0x20: {  	[sflag:s8] =	ssyncset.s32 @!p0 $0xFFFFF086;
	s6 =	sadd.s32 @!p0 s3, s7;
	s7 =	simm.s32 @!p0 $0x108  }
0x21: {  	s3 =	sadd.s32 s3, s9;
	s6 =	sadd.s32 @!p0 $0x88, s6;
	s7 =	simm.s32 @p2 $0x1082  }
0x22: {  	[simem:s7], [sflag:s8] =	dma.local @!p0 [hbm:s6], $0xF7A  }
0x23: {  	s9 =	sor.u32 $0xD0000000, s2;
	s6 =	simm.s32 $0x108;
	_ =	swait.ge @!p0 [sflag:s8], $0x0  }
0x24: {  	s3 =	sadd.s32 $0x88, s3;
	s6 =	simm.s32 @!p1 $0x1082;
	[sflag:s4] =	ssyncset.s32 $0xFFFFF086  }
0x25: {  	[simem:s6], [sflag:s4] =	dma.local [hbm:s3], $0xF7A  }
0x26: {  	[smem:$0x3F9B] =	sst s1;
	(tag) =	ssettag s2;
	_ =	strace s9  }
0x27: {  	s1 =	sld [smem:$0x3FAB]  }
0x28: {  	s2 =	sld [smem:$0x3FAC]  }
0x29: {  	s4 =	sld [smem:$0x3FAE]  }
0x2a: {  	p0 =	seq.s32 s5, $0x0;
	s5 =	sld [smem:$0x3FAF]  }
0x2b: {  	s6 =	sld [smem:$0x3FB0]  }
0x2c: {  	s7 =	sld [smem:$0x3FB1]  }
0x2d: {  	s3 =	simm.s32 $0x108;
	s8 =	sld [smem:$0x3FB2]  }
0x2e: {  	s3 =	simm.s32 @!p0 $0x1082;
	s9 =	sld [smem:$0x3FB3]  }
0x2f: {  	lr =	sadd.s32 s0, s3;
	s0 =	sld [smem:$0x3FAA]  }
0x30: {  	s3 =	sld [smem:$0x3FAD]  }
0x31: {  	[smem:$0x3FB6] =	sst s10  }
0x32: {  	s10 =	sld [smem:$0x3FB4];
	_ =	sdelay $0x3  }
0x33: {  	p0 =	seq.s32 s10, $0x1;
	s10 =	sld [smem:$0x3FB6];
	_ =	sdelay $0x3  }
0x34: {  	[smem:$0x3FB6] =	sst s10  }
0x35: {  	s10 =	sld [smem:$0x3FB5];
	_ =	sdelay $0x3  }
0x36: {  	p1 =	seq.s32 s10, $0x1;
	s10 =	sld [smem:$0x3FB6];
	_ =	sdelay $0x3  }
0x37: {  	[smem:$0x3FB6] =	sst s10  }
0x38: {  	s10 =	sld [smem:$0x3FB7]  }
0x39: {  	_ = 	snop;
	(pc) =	sbr.ind lr, $3  }
0x3a: {  	_ = 	snop  }
0x3b: {  	_ = 	snop  }
0x3c: {  	p2 =	seq.s32 s10, $0x1;
	s10 =	sld [smem:$0x3FB6]  }
0x3d: {  	_ =	shalt  }
0x3e: {  	_ =	shalt  }
0x3f: {  	_ =	shalt  }
0x40: {  	_ =	shalt  }
0x41: {  	_ =	shalt  }
0x42: {  	_ =	shalt  }
0x43: {  	_ =	shalt  }
0x44: {  	_ =	shalt  }
0x45: {  	_ =	shalt  }
0x46: {  	_ =	shalt  }
0x47: {  	_ =	shalt  }
0x48: {  	_ =	shalt  }
0x49: {  	_ =	shalt  }
0x4a: {  	_ =	shalt  }
0x4b: {  	_ =	shalt  }
0x4c: {  	_ =	shalt  }
0x4d: {  	_ =	shalt  }
0x4e: {  	_ =	shalt  }
0x4f: {  	_ =	shalt  }
0x50: {  	_ =	shalt  }
0x51: {  	_ =	shalt  }
0x52: {  	_ =	shalt  }
0x53: {  	_ =	shalt  }
0x54: {  	_ =	shalt  }
0x55: {  	_ =	shalt  }
0x56: {  	_ =	shalt  }
0x57: {  	_ =	shalt  }
0x58: {  	_ =	shalt  }
0x59: {  	_ =	shalt  }
0x5a: {  	_ =	shalt  }
0x5b: {  	_ =	shalt  }
0x5c: {  	_ =	shalt  }
0x5d: {  	_ =	shalt  }
0x5e: {  	_ =	shalt  }
0x5f: {  	_ =	shalt  }
0x60: {  	_ =	shalt  }
0x61: {  	_ =	shalt  }
0x62: {  	_ =	shalt  }
0x63: {  	_ =	shalt  }
0x64: {  	_ =	shalt  }
0x65: {  	_ =	shalt  }
0x66: {  	_ =	shalt  }
0x67: {  	_ =	shalt  }
0x68: {  	_ =	shalt  }
0x69: {  	_ =	shalt  }
0x6a: {  	_ =	shalt  }
0x6b: {  	_ =	shalt  }
0x6c: {  	_ =	shalt  }
0x6d: {  	_ =	shalt  }
0x6e: {  	_ =	shalt  }
0x6f: {  	_ =	shalt  }
0x70: {  	_ =	shalt  }
0x71: {  	_ =	shalt  }
0x72: {  	_ =	shalt  }
0x73: {  	_ =	shalt  }
0x74: {  	_ =	shalt  }
0x75: {  	_ =	shalt  }
0x76: {  	_ =	shalt  }
0x77: {  	_ =	shalt  }
0x78: {  	_ =	shalt  }
0x79: {  	_ =	shalt  }
0x7a: {  	_ =	shalt  }
0x7b: {  	_ =	shalt  }
0x7c: {  	_ =	shalt  }
0x7d: {  	_ =	shalt  }
0x7e: {  	_ =	shalt  }
0x7f: {  	_ =	shalt  }
0x80: {  	_ =	shalt  }
0x81: {  	_ =	shalt  }
0x82: {  	_ =	shalt  }
0x83: {  	_ =	shalt  }
0x84: {  	_ =	shalt  }
0x85: {  	_ =	shalt  }
0x86: {  	_ =	shalt  }
0x87: {  	_ =	shalt  }
.Lfunc_end0:
.L_simem_size_0:
called_computation.1_lowered:
.L_overlay_start_0:
0x88: {  	s2 =	sld [smem:$0x3FD9]  }
0x89: {  	s3 =	sld [smem:$0x3FFE];
	_ =	sdelay $0x1  }
0x8a: {  	s1 =	srdreg.scid  }
0x8b: {  	s0 =	sand.u32 $0x1, s1  }
0x8c: {  	s17 =	sshll.u32 s0, $0xA;
	s2 =	sadd.s32 s3, s2  }
0x8d: {  	s2 =	sadd.s32 s2, s17  }
0x8e: {  	[smem:$0x3FC2] =	sst s2  }
0x8f: {  	_ = 	snop  }
0x90: {  	s2 =	sld [smem:$0x3FD0];
	(tm) =	ssettm $0x1  }
0x91: {  	s18 =	sld [smem:$0x3FFB];
	_ =	sdelay $0x3  }
0x92: {  	_ =	strace s18  }
0x93: {  	s3 =	sld [smem:$0x3FFC];
	_ =	sdelay $0x3  }
0x94: {  	_ =	strace s3  }
0x95: {  	s3 =	sld [smem:$0x3FFD];
	_ =	sdelay $0x3  }
0x96: {  	_ =	strace s3  }
0x97: {  	_ =	strace $0x8FFFFFFF  }
0x98: {  	s19 =	sld [smem:$0x3FDB];
	_ =	sdelay $0x1  }
0x99: {  	s4 =	simm.s32 $_scs_section_size  }
0x9a: {  	s5 =	simm.s32 $_size__tile_overlayer_lowered;
	s6 =	simm.s32 $_tile_overlayer_lowered  }
0x9b: {  	s22 =	simm.s32 $0x1BFF;
	s21 =	sshll.u32 s6, $0x1;
	s3 =	sadd.s32 s4, s19  }
0x9c: {  	s7 =	simm.s32 $0x0;
	s20 =	sshll.u32 s5, $0x1;
	s5 =	sadd.s32 s21, s3  }
0x9d: {  	[timem:s7], [sflag:s22] =	dma.local [hbm:s5], s20  }
0x9e: {  	_ =	swait.ge [sflag:s22], s20  }
0x9f: {  	s4 =	ssub.s32 $0x0, s20;
	[sflag:s22] =	ssyncset.done $0x0  }
0xa0: {  	[sflag:s22] =	ssyncadd.s32 s4;
	_ =	sdelay $0x1  }
0xa1: {  	s23 =	simm.s32 $0x1B8B  }
0xa2: {  	_ =	swait.ge [sflag:s23], $0x1  }
0xa3: {  	[sflag:s23] =	ssyncset.done $0x0  }
0xa4: {  	s25 =	simm.s32 $0x1B8E;
	s24 =	sld [smem:$0x3FFE];
	[sflag:s23] =	ssyncadd.s32 $0xFFFFFFFF  }
0xa5: {  	s26 =	simm.s32 $execute0_lowered;
	[smem:$0x3FD2] =	sst s25  }
0xa6: {  	s5 =	sshll.u32 s26, $0x1;
	_ =	strace $0x80000049;
	[dreg:$0x1] =	wrdreg $0xFFFFFFFF  }
0xa7: {  	s28 =	simm.s32 $_size_execute0_lowered;
	s3 =	sadd.s32 s3, s5;
	[dreg:$0x0] =	wrdreg $0x0  }
0xa8: {  	s5 =	sshll.u32 s28, $0x1;
	[dreg:$0x2] =	wrdreg s3  }
0xa9: {  	[dreg:$0x3] =	wrdreg s5  }
0xaa: {  	[dreg:$0x4] =	wrdreg $0xC0  }
0xab: {  	_ =	task [dreg:s7], $0x5FFFF  }
0xac: {  	[dreg:$0x1] =	wrdreg $0xFFFFFFFF  }
0xad: {  	[dreg:$0x0] =	wrdreg $0x60  }
0xae: {  	[dreg:$0x2] =	wrdreg s24  }
0xaf: {  	[dreg:$0x3] =	wrdreg s2  }
0xb0: {  	[dreg:$0x4] =	wrdreg $0xA0000  }
0xb1: {  	[dreg:$0x5] =	wrdreg $0x9  }
0xb2: {  	_ =	task.clear_ibuf [dreg:s7], $0x6FFFF;
	_ =	strace $0x90000049  }
0xb3: {  	s29 =	simm.s32 $0x9;
	_ =	strace $0x8000004B  }
0xb4: {  	_ =	swait.ge [sflag:s29], $0x1  }
0xb5: {  	[sflag:s29] =	ssyncadd.s32 $0xFFFFFFFF  }
0xb6: {  	_ =	strace $0x9000004B  }
0xb7: {  	_ =	sfence  }
0xb8: {  	s30 =	sld [smem:$0x0];
	_ =	sdelay $0x2  }
0xb9: {  	s31 =	sshll.u32 s1, $0xD;
	s1 =	sshrl.u32 s1, $0x2  }
0xba: {  	s3 =	sand.u32 $0x4000, s31;
	s1 =	sadd.s32 s1, s30  }
0xbb: {  	s0 =	sor.u32 s3, s0;
	s1 =	sshll.u32 s1, $0x11  }
0xbc: {  	s0 =	sor.u32 s1, s0  }
0xbd: {  	s0 =	sadd.s32 $0x8F2B, s0  }
0xbe: {  	[sflag:s0] =	ssyncadd.remote.s32 $0x1  }
0xbf: {  	_ =	sfence.sel $0xFFFF  }
0xc0: {  	[dreg:$0x0] =	wrdreg $0xFFFFFFFF;
	(pc) =	sbr.abs _section_cstart, $3  }
0xc1: {  	[dreg:$0x1] =	wrdreg $0xFFFFFFFF  }
0xc2: {  	_ =	task.clear_ibuf [dreg:s7], $0x2FFFF;
	_ =	strace $0x9FFFFFFF  }
0xc3: {  	(tm) =	ssettm $0x7FFFFFFF  }
tec
execute0_lowered:
.L_overlay_start_1:
0x0: {  	(tag) =	ssettag $0x1  }
0x1: {  	s9 =	rddreg [dreg:$0x0]  }
0x2: {  	s1 =	rddreg [dreg:$0x1]  }
0x3: {  	s2 =	rddreg [dreg:$0x2]  }
0x4: {  	s0 =	rddreg [dreg:$0x3];
	s3 =	simm.s32 $0x0;
	s6 =	srdreg.scid  }
0x5: {  	s4 =	stileid.u32;
	s15 =	simm.s32 $0x3;
	s16 =	simm.s32 $0x7D  }
0x6: {  	s17 =	simm.s32 $0x2000;
	s18 =	simm.s32 $0x2;
	s19 =	simm.s32 $0x1F80  }
0x7: {  	s20 =	simm.s32 $0x6000;
	s21 =	simm.s32 $0x0;
	[smem:$0x7FF] =	sst s3  }
0x8: {  	s5 =	sadd.s32 $0x2800, s9;
	s10 =	sand.u32 $0x1, s6;
	s6 =	sadd.s32 $0x16800, s9  }
0x9: {  	s12 =	smul.u32 $0x50000, s4;
	s7 =	sadd.s32 $0x3DA00, s9;
	s8 =	sadd.s32 $0x40200, s9  }
.Ltmp0:
0xa: {  	s9 =	sadd.s32 $0x68200, s9;
	s31 =	sshll.u32 s4, $0x6;
	(pc) =	sbr.rel .LBB2_1-.Ltmp0, $4  }
0xb: {  	_ =	strace $0x8000004A;
	s11 =	ssub.s32 $0x2, s10;
	p0 =	seq.s32 s10, $0x1  }
0xc: {  	s10 =	smul.u32 $0x5000, s4;
	s13 =	sshrl.u32 s11, $0x1;
	s30 =	sshrl.u32 s12, $0x2  }
0xd: {  	s13 =	ssub.s32 s11, s13;
	s14 =	sadd.s32 s30, s2;
	s11 =	smul.u32 $0x2800, s4  }
0xe: {  	s12 =	smax.u32 s13, $0x1;
	s13 =	sor.u32 $0x1C03, s31;
	s14 =	sshrl.u32 s14, $0x3  }
.LBB2_10:
0xf: {  	s21 =	sadd.s32 $0x1, s21  }
0x10: {  	p1 =	sne.s32 s21, s12  }
.Ltmp1:
0x11: {  	s22 =	sadd.s32 s22, s11;
	[bflag:$0x0] =	sbarrier.arrive $0xFFFF;
	(pc) =	sbr.rel @!p1 .LBB2_11-.Ltmp1, $4  }
0x12: {  	[hbm:s22], [sflag:s13] =	dma.local [spmem:s14], $0x2800  }
0x13: {  	_ =	swait.ge [sflag:s15], $0x2800  }
0x14: {  	[sflag:s15] =	ssyncset.done $0x0  }
0x15: {  	[sflag:s15] =	ssyncadd.s32 $0xFFFFD800  }
.LBB2_1:
0x16: {  	[spmem:s14], [sflag:s13] =	dma.local [hbm:s7], $0x2800  }
.Ltmp2:
0x17: {  	_ =	swait.ge [sflag:s15], $0x2800;
	(pc) =	sbr.rel @!p0 .LBB2_2-.Ltmp2, $4  }
0x18: {  	[sflag:s15] =	ssyncset.done $0x0  }
0x19: {  	[sflag:s15] =	ssyncadd.s32 $0xFFFFD800  }
0x1a: {  	[bflag:$0x0] =	sbarrier.arrive $0xFFFF  }
0x1b: {  	s22 =	simm.s32 $0x0;
	s23 =	simm.s32 $0x0  }
.LBB2_6:
0x1c: {  	s22 =	sshll.u32 s23, $0xC  }
0x1d: {  	s22 =	sadd.s32 s10, s22  }
0x1e: {  	s22 =	sshrl.u32 s22, $0x3  }
0x1f: {  	s22 =	sadd.s32 s5, s22  }
0x20: {  	[tilespmem:s3], [sflag:$0x3] =	stream.linear.gather [hbm4b:s22+s3], $0x1000, $0x38;
	[tilespmem:$0x1E000] =	vst v63  }
0x21: {  	_ =	swait.ge [sflag:s15], $0x1000  }
0x22: {  	s24 =	simm.s32 $0x1000;
	[sflag:s15] =	ssyncset.done $0x0  }
0x23: {  	s31 =	simm.s32 $0x0;
	s22 =	sadd.s32 $0xA000, s22;
	[sflag:s15] =	ssyncadd.s32 $0xFFFFF000  }
0x24: {  	[tilespmem:s24], [sflag:$0x3] =	stream.linear.gather [hbm4b:s22+s3], $0x1000, $0x38;
	[tilespmem:$0x1E000] =	vst v63  }
0x25: {  	s22 =	sand.u32 $0x1, s31;
	_ =	swait.ge [sflag:s15], $0x1000  }
0x26: {  	s26 =	simm.s32 $0x1;
	p1 =	seq.s32 s22, $0x0;
	[sflag:s15] =	ssyncset.done $0x0  }
0x27: {  	s28 =	simm.s32 $0x1;
	s26 =	simm.s32 @!p1 $0x2;
	[sflag:s15] =	ssyncadd.s32 $0xFFFFF000  }
0x28: {  	[tilespmem:s17], [sflag:$0x1] =	stream.indirect.gather [hbm4b:s6+s16], $0x80, s3, s16, $0xb8;
	[tilespmem:$0x1E000] =	vst v63  }
0x29: {  	s29 =	simm.s32 $0x80;
	s28 =	sand.u32 $0x1, s28;
	_ =	swait.ge [sflag:s26], $0x3E80  }
0x2a: {  	s25 =	simm.s32 $0x2;
	p2 =	seq.s32 s28, $0x0;
	[sflag:s26] =	ssyncset.done $0x0  }
0x2b: {  	s30 =	simm.s32 @!p1 $0x2000;
	[sflag:s26] =	ssyncadd.s32 $0xFFFFC180;
	s26 =	simm.s32 @!p1 $0x7D  }
0x2c: {  	[tilespmem:s30], [sflag:$0x1] =	stream.indirect.gather @!p1 [hbm4b:s6+s26], $0x80, s29, s26, $0xb8;
	[tilespmem:$0x1E000] =	vst v63  }
0x2d: {  	s28 =	simm.s32 @!p2 $0x6000;
	s26 =	simm.s32 @!p2 $0x7D;
	p1 =	sne.s32 s22, $0x0  }
0x2e: {  	[tilespmem:s28], [sflag:$0x2] =	stream.indirect.gather @!p2 [hbm4b:s6+s26], $0x80, s29, s26, $0xb8;
	[tilespmem:$0x1E000] =	vst v63  }
0x2f: {  	s22 =	simm.s32 @p1 $0x7D;
	s26 =	simm.s32 @p1 $0x6000;
	s28 =	simm.s32 @!p1 $0x4  }
0x30: {  	[spmem:s2] =	stream.indirect.scatter.add.f32 @p1 [tilespmem:s26], [sflag:$0x3], $0x80, s24, s22, $0xb8;
	[tilespmem:$0x1E000] =	vst v63  }
0x31: {  	s28 =	simm.s32 @p1 $0x3;
	s22 =	simm.s32 @!p1 $0x7D;
	s26 =	simm.s32 @!p1 $0x2000  }
0x32: {  	[spmem:s2] =	stream.indirect.scatter.add.f32 @!p1 [tilespmem:s26], [sflag:$0x4], $0x80, s24, s22, $0xb8;
	[tilespmem:$0x1E000] =	vst v63  }
0x33: {  	s29 =	simm.s32 $0x1;
	s26 =	simm.s32 $0x3;
	_ =	swait.ge [sflag:s28], $0x3E80  }
0x34: {  	s24 =	simm.s32 $0x100;
	s22 =	simm.s32 $0x1080;
	[sflag:s28] =	ssyncset.done $0x0  }
.LBB2_7:
0x35: {  	s29 =	sand.u32 $0x1, s29  }
0x36: {  	[sflag:s28] =	ssyncadd.s32 $0xFFFFC180;
	s30 =	smov.u32 s26;
	s26 =	sadd.s32 $0x1, s26  }
0x37: {  	s28 =	simm.s32 $0x1;
	p1 =	sne.s32 s26, $0x20;
	p2 =	seq.s32 s29, $0x0  }
0x38: {  	s28 =	simm.s32 @!p2 $0x2  }
0x39: {  	_ =	swait.ge [sflag:s28], $0x3E80  }
0x3a: {  	s25 =	sand.u32 $0x1, s25;
	s31 =	simm.s32 @!p2 $0x2000;
	[sflag:s28] =	ssyncset.done $0x0  }
0x3b: {  	p3 =	seq.s32 s25, $0x0;
	[sflag:s28] =	ssyncadd.s32 $0xFFFFC180;
	s28 =	simm.s32 @!p2 $0x7D  }
0x3c: {  	[tilespmem:s31], [sflag:$0x1] =	stream.indirect.gather @!p2 [hbm4b:s6+s28], $0x80, s24, s28, $0xb8;
	[tilespmem:$0x1E000] =	vst v63  }
0x3d: {  	s25 =	simm.s32 @!p3 $0x7D;
	s28 =	simm.s32 @!p3 $0x6000;
	p2 =	sne.s32 s29, $0x0  }
0x3e: {  	[tilespmem:s28], [sflag:$0x2] =	stream.indirect.gather @!p3 [hbm4b:s6+s25], $0x80, s24, s25, $0xb8;
	[tilespmem:$0x1E000] =	vst v63  }
0x3f: {  	s29 =	simm.s32 @p2 $0x6000;
	s25 =	simm.s32 @p2 $0x7D;
	s28 =	simm.s32 @!p2 $0x4  }
0x40: {  	[spmem:s2] =	stream.indirect.scatter.add.f32 @p2 [tilespmem:s29], [sflag:$0x3], $0x80, s22, s25, $0xb8;
	[tilespmem:$0x1E000] =	vst v63  }
.Ltmp3:
0x41: {  	_ = 	snop;
	(pc) =	sbr.rel @p1 .LBB2_7-.Ltmp3, $4  }
0x42: {  	s28 =	simm.s32 @p2 $0x3;
	s25 =	simm.s32 @!p2 $0x7D;
	s29 =	simm.s32 @!p2 $0x2000  }
0x43: {  	[spmem:s2] =	stream.indirect.scatter.add.f32 @!p2 [tilespmem:s29], [sflag:$0x4], $0x80, s22, s25, $0xb8;
	[tilespmem:$0x1E000] =	vst v63  }
0x44: {  	s24 =	sadd.s32 $0x80, s24;
	s25 =	smov.u32 s30;
	_ =	swait.ge [sflag:s28], $0x3E80  }
0x45: {  	s22 =	sadd.s32 $0x80, s22;
	s29 =	sadd.s32 $0xFFFFFFFF, s25;
	[sflag:s28] =	ssyncset.done $0x0  }
0x46: {  	s26 =	sand.u32 $0x1, s29  }
0x47: {  	s29 =	simm.s32 $0x1;
	p1 =	seq.s32 s26, $0x0  }
0x48: {  	[sflag:s28] =	ssyncadd.s32 $0xFFFFC180;
	s29 =	simm.s32 @!p1 $0x2  }
0x49: {  	s25 =	sand.u32 $0x1, s25;
	_ =	swait.ge [sflag:s29], $0x3E80  }
0x4a: {  	p2 =	seq.s32 s25, $0x0;
	[sflag:s29] =	ssyncset.done $0x0  }
0x4b: {  	s28 =	simm.s32 @!p1 $0x2000;
	[sflag:s29] =	ssyncadd.s32 $0xFFFFC180;
	s29 =	simm.s32 @!p1 $0x7D  }
0x4c: {  	[tilespmem:s28], [sflag:$0x1] =	stream.indirect.gather @!p1 [hbm4b:s6+s29], $0x80, s24, s29, $0xb8;
	[tilespmem:$0x1E000] =	vst v63  }
0x4d: {  	s25 =	simm.s32 @!p2 $0x7D;
	s28 =	simm.s32 @!p2 $0x6000;
	p1 =	sne.s32 s26, $0x0  }
0x4e: {  	[tilespmem:s28], [sflag:$0x2] =	stream.indirect.gather @!p2 [hbm4b:s6+s25], $0x80, s24, s25, $0xb8;
	[tilespmem:$0x1E000] =	vst v63  }
0x4f: {  	s26 =	simm.s32 @!p1 $0x4;
	s24 =	simm.s32 @p1 $0x7D;
	s25 =	simm.s32 @p1 $0x6000  }
0x50: {  	[spmem:s2] =	stream.indirect.scatter.add.f32 @p1 [tilespmem:s25], [sflag:$0x3], $0x80, s22, s24, $0xb8;
	[tilespmem:$0x1E000] =	vst v63  }
0x51: {  	s26 =	simm.s32 @p1 $0x3;
	s24 =	simm.s32 @!p1 $0x7D;
	s25 =	simm.s32 @!p1 $0x2000  }
0x52: {  	[spmem:s2] =	stream.indirect.scatter.add.f32 @!p1 [tilespmem:s25], [sflag:$0x4], $0x80, s22, s24, $0xb8;
	[tilespmem:$0x1E000] =	vst v63  }
0x53: {  	_ =	swait.ge [sflag:s26], $0x3E80  }
0x54: {  	[sflag:s26] =	ssyncset.done $0x0  }
0x55: {  	[sflag:s26] =	ssyncadd.s32 $0xFFFFC180  }
0x56: {  	s23 =	sadd.s32 $0x1, s23;
	_ =	swait.ge [sflag:s18], $0x3E80  }
0x57: {  	p1 =	sne.s32 s23, $0x5;
	[sflag:s18] =	ssyncset.done $0x0  }
.Ltmp4:
0x58: {  	[sflag:s18] =	ssyncadd.s32 $0xFFFFC180;
	(pc) =	sbr.rel @p1 .LBB2_6-.Ltmp4, $4  }
0x59: {  	[spmem:s2] =	stream.indirect.scatter.add.f32 [tilespmem:s20], [sflag:$0x3], $0x80, s19, s16, $0xb8;
	[tilespmem:$0x1E000] =	vst v63  }
0x5a: {  	_ =	swait.ge [sflag:s15], $0x3E80  }
0x5b: {  	[sflag:s15] =	ssyncset.done $0x0  }
0x5c: {  	[sflag:s15] =	ssyncadd.s32 $0xFFFFC180  }
.Ltmp5:
0x5d: {  	(pc) =	sbr.rel .LBB2_10-.Ltmp5, $2  }
0x5e: {  	_ =	sdelay $0x2  }
0x5f: {  	s22 =	smov.u32 s9  }
.LBB2_2:
0x60: {  	s23 =	sshll.u32 s22, $0xC  }
0x61: {  	s23 =	sadd.s32 s10, s23  }
0x62: {  	s23 =	sshrl.u32 s23, $0x3  }
0x63: {  	s23 =	sadd.s32 s5, s23  }
0x64: {  	s24 =	sadd.s32 $0xA000, s23  }
0x65: {  	[tilespmem:s3], [sflag:$0x3] =	stream.linear.gather [hbm4b:s24+s3], $0x1000, $0x38;
	[tilespmem:$0x1E000] =	vst v63  }
0x66: {  	_ =	swait.ge [sflag:s15], $0x1000  }
0x67: {  	[sflag:s15] =	ssyncset.done $0x0  }
0x68: {  	s31 =	simm.s32 $0x0;
	s24 =	simm.s32 $0x1000;
	[sflag:s15] =	ssyncadd.s32 $0xFFFFF000  }
0x69: {  	[tilespmem:s24], [sflag:$0x3] =	stream.linear.gather [hbm4b:s23+s3], $0x1000, $0x38;
	[tilespmem:$0x1E000] =	vst v63  }
0x6a: {  	s23 =	sand.u32 $0x1, s31;
	_ =	swait.ge [sflag:s15], $0x1000  }
0x6b: {  	s26 =	simm.s32 $0x1;
	p1 =	seq.s32 s23, $0x0;
	[sflag:s15] =	ssyncset.done $0x0  }
0x6c: {  	s28 =	simm.s32 $0x1;
	s26 =	simm.s32 @!p1 $0x2;
	[sflag:s15] =	ssyncadd.s32 $0xFFFFF000  }
0x6d: {  	[tilespmem:s17], [sflag:$0x1] =	stream.indirect.gather [hbm4b:s1+s16], $0x80, s3, s16, $0xb8;
	[tilespmem:$0x1E000] =	vst v63  }
0x6e: {  	s29 =	simm.s32 $0x80;
	s28 =	sand.u32 $0x1, s28;
	_ =	swait.ge [sflag:s26], $0x3E80  }
0x6f: {  	s25 =	simm.s32 $0x2;
	p2 =	seq.s32 s28, $0x0;
	[sflag:s26] =	ssyncset.done $0x0  }
0x70: {  	s30 =	simm.s32 @!p1 $0x2000;
	[sflag:s26] =	ssyncadd.s32 $0xFFFFC180;
	s26 =	simm.s32 @!p1 $0x7D  }
0x71: {  	[tilespmem:s30], [sflag:$0x1] =	stream.indirect.gather @!p1 [hbm4b:s1+s26], $0x80, s29, s26, $0xb8;
	[tilespmem:$0x1E000] =	vst v63  }
0x72: {  	s28 =	simm.s32 @!p2 $0x6000;
	s26 =	simm.s32 @!p2 $0x7D;
	p1 =	sne.s32 s23, $0x0  }
0x73: {  	[tilespmem:s28], [sflag:$0x2] =	stream.indirect.gather @!p2 [hbm4b:s1+s26], $0x80, s29, s26, $0xb8;
	[tilespmem:$0x1E000] =	vst v63  }
0x74: {  	s23 =	simm.s32 @p1 $0x7D;
	s26 =	simm.s32 @p1 $0x6000;
	s28 =	simm.s32 @!p1 $0x4  }
0x75: {  	[spmem:s2] =	stream.indirect.scatter.add.f32 @p1 [tilespmem:s26], [sflag:$0x3], $0x80, s24, s23, $0xb8;
	[tilespmem:$0x1E000] =	vst v63  }
0x76: {  	s28 =	simm.s32 @p1 $0x3;
	s23 =	simm.s32 @!p1 $0x7D;
	s26 =	simm.s32 @!p1 $0x2000  }
0x77: {  	[spmem:s2] =	stream.indirect.scatter.add.f32 @!p1 [tilespmem:s26], [sflag:$0x4], $0x80, s24, s23, $0xb8;
	[tilespmem:$0x1E000] =	vst v63  }
0x78: {  	s29 =	simm.s32 $0x1;
	s26 =	simm.s32 $0x3;
	_ =	swait.ge [sflag:s28], $0x3E80  }
0x79: {  	s24 =	simm.s32 $0x100;
	s23 =	simm.s32 $0x1080;
	[sflag:s28] =	ssyncset.done $0x0  }
.LBB2_3:
0x7a: {  	s29 =	sand.u32 $0x1, s29  }
0x7b: {  	[sflag:s28] =	ssyncadd.s32 $0xFFFFC180;
	s30 =	smov.u32 s26;
	s26 =	sadd.s32 $0x1, s26  }
0x7c: {  	s28 =	simm.s32 $0x1;
	p1 =	sne.s32 s26, $0x20;
	p2 =	seq.s32 s29, $0x0  }
0x7d: {  	s28 =	simm.s32 @!p2 $0x2  }
0x7e: {  	_ =	swait.ge [sflag:s28], $0x3E80  }
0x7f: {  	s25 =	sand.u32 $0x1, s25;
	s31 =	simm.s32 @!p2 $0x2000;
	[sflag:s28] =	ssyncset.done $0x0  }
0x80: {  	p3 =	seq.s32 s25, $0x0;
	[sflag:s28] =	ssyncadd.s32 $0xFFFFC180;
	s28 =	simm.s32 @!p2 $0x7D  }
0x81: {  	[tilespmem:s31], [sflag:$0x1] =	stream.indirect.gather @!p2 [hbm4b:s1+s28], $0x80, s24, s28, $0xb8;
	[tilespmem:$0x1E000] =	vst v63  }
0x82: {  	s25 =	simm.s32 @!p3 $0x7D;
	s28 =	simm.s32 @!p3 $0x6000;
	p2 =	sne.s32 s29, $0x0  }
0x83: {  	[tilespmem:s28], [sflag:$0x2] =	stream.indirect.gather @!p3 [hbm4b:s1+s25], $0x80, s24, s25, $0xb8;
	[tilespmem:$0x1E000] =	vst v63  }
0x84: {  	s29 =	simm.s32 @p2 $0x6000;
	s25 =	simm.s32 @p2 $0x7D;
	s28 =	simm.s32 @!p2 $0x4  }
0x85: {  	[spmem:s2] =	stream.indirect.scatter.add.f32 @p2 [tilespmem:s29], [sflag:$0x3], $0x80, s23, s25, $0xb8;
	[tilespmem:$0x1E000] =	vst v63  }
.Ltmp6:
0x86: {  	_ = 	snop;
	(pc) =	sbr.rel @p1 .LBB2_3-.Ltmp6, $4  }
0x87: {  	s28 =	simm.s32 @p2 $0x3;
	s25 =	simm.s32 @!p2 $0x7D;
	s29 =	simm.s32 @!p2 $0x2000  }
0x88: {  	[spmem:s2] =	stream.indirect.scatter.add.f32 @!p2 [tilespmem:s29], [sflag:$0x4], $0x80, s23, s25, $0xb8;
	[tilespmem:$0x1E000] =	vst v63  }
0x89: {  	s24 =	sadd.s32 $0x80, s24;
	s25 =	smov.u32 s30;
	_ =	swait.ge [sflag:s28], $0x3E80  }
0x8a: {  	s23 =	sadd.s32 $0x80, s23;
	s29 =	sadd.s32 $0xFFFFFFFF, s25;
	[sflag:s28] =	ssyncset.done $0x0  }
0x8b: {  	s26 =	sand.u32 $0x1, s29  }
0x8c: {  	s29 =	simm.s32 $0x1;
	p1 =	seq.s32 s26, $0x0  }
0x8d: {  	[sflag:s28] =	ssyncadd.s32 $0xFFFFC180;
	s29 =	simm.s32 @!p1 $0x2  }
0x8e: {  	s25 =	sand.u32 $0x1, s25;
	_ =	swait.ge [sflag:s29], $0x3E80  }
0x8f: {  	p2 =	seq.s32 s25, $0x0;
	[sflag:s29] =	ssyncset.done $0x0  }
0x90: {  	s28 =	simm.s32 @!p1 $0x2000;
	[sflag:s29] =	ssyncadd.s32 $0xFFFFC180;
	s29 =	simm.s32 @!p1 $0x7D  }
0x91: {  	[tilespmem:s28], [sflag:$0x1] =	stream.indirect.gather @!p1 [hbm4b:s1+s29], $0x80, s24, s29, $0xb8;
	[tilespmem:$0x1E000] =	vst v63  }
0x92: {  	s25 =	simm.s32 @!p2 $0x7D;
	s28 =	simm.s32 @!p2 $0x6000;
	p1 =	sne.s32 s26, $0x0  }
0x93: {  	[tilespmem:s28], [sflag:$0x2] =	stream.indirect.gather @!p2 [hbm4b:s1+s25], $0x80, s24, s25, $0xb8;
	[tilespmem:$0x1E000] =	vst v63  }
0x94: {  	s26 =	simm.s32 @!p1 $0x4;
	s24 =	simm.s32 @p1 $0x7D;
	s25 =	simm.s32 @p1 $0x6000  }
0x95: {  	[spmem:s2] =	stream.indirect.scatter.add.f32 @p1 [tilespmem:s25], [sflag:$0x3], $0x80, s23, s24, $0xb8;
	[tilespmem:$0x1E000] =	vst v63  }
0x96: {  	s26 =	simm.s32 @p1 $0x3;
	s24 =	simm.s32 @!p1 $0x7D;
	s25 =	simm.s32 @!p1 $0x2000  }
0x97: {  	[spmem:s2] =	stream.indirect.scatter.add.f32 @!p1 [tilespmem:s25], [sflag:$0x4], $0x80, s23, s24, $0xb8;
	[tilespmem:$0x1E000] =	vst v63  }
0x98: {  	_ =	swait.ge [sflag:s26], $0x3E80  }
0x99: {  	[sflag:s26] =	ssyncset.done $0x0  }
0x9a: {  	[sflag:s26] =	ssyncadd.s32 $0xFFFFC180  }
0x9b: {  	s22 =	sadd.s32 $0x1, s22;
	_ =	swait.ge [sflag:s18], $0x3E80  }
0x9c: {  	p1 =	seq.s32 s22, $0x5;
	[sflag:s18] =	ssyncset.done $0x0  }
.Ltmp7:
0x9d: {  	[sflag:s18] =	ssyncadd.s32 $0xFFFFC180;
	(pc) =	sbr.rel @!p1 .LBB2_2-.Ltmp7, $4  }
0x9e: {  	[spmem:s2] =	stream.indirect.scatter.add.f32 [tilespmem:s20], [sflag:$0x3], $0x80, s19, s16, $0xb8;
	[tilespmem:$0x1E000] =	vst v63  }
0x9f: {  	_ =	swait.ge [sflag:s15], $0x3E80  }
0xa0: {  	[sflag:s15] =	ssyncset.done $0x0  }
0xa1: {  	[sflag:s15] =	ssyncadd.s32 $0xFFFFC180  }
.Ltmp8:
0xa2: {  	(pc) =	sbr.rel .LBB2_10-.Ltmp8, $2  }
0xa3: {  	_ =	sdelay $0x2  }
0xa4: {  	s22 =	smov.u32 s8  }
.LBB2_11:
0xa5: {  	_ =	sfence.sel $0x180000  }
0xa6: {  	[bflag:$0x0] =	sbarrier.arrive $0xFFFF  }
0xa7: {  	p0 =	sne.s32 s4, $0x0;
	_ =	strace $0x9000004A  }
0xa8: {  	s0 =	sadd.s32 @!p0 $0x100000, s0;
	[bflag:$0x2] =	sbarrier.arrive $0xFFFF  }
0xa9: {  	[sflag:s0] =	ssyncadd.tile.s32 @!p0 $0x1;
	_ =	shalt  }
.Lfunc_end2:
_tile_overlayer_lowered:
.L_overlay_start_2:
0xaa: {  	(tag) =	ssettag $0x2  }
0xab: {  	s0 =	rddreg [dreg:$0x0];
	s2 =	stileid.u32  }
0xac: {  	s1 =	rddreg [dreg:$0x1];
	p0 =	sne.s32 s2, $0x0  }
0xad: {  	s3 =	rddreg [dreg:$0x2];
	[bflag:$0x3] =	sbarrier.arrive $0xFFFF;
	s2 =	simm.s32 @!p0 $0x1C03  }
0xae: {  	[timem:s3], [sflag:s2] =	dma.local @!p0 [hbm:s0], s1  }
0xaf: {  	s0 =	simm.s32 @!p0 $0x3  }
0xb0: {  	_ =	swait.ge @!p0 [sflag:s0], s1  }
0xb1: {  	s1 =	ssub.s32 @!p0 $0x0, s1;
	[sflag:s0] =	ssyncset.done @!p0 $0x0  }
0xb2: {  	[sflag:s0] =	ssyncadd.s32 @!p0 s1  }
0xb3: {  	[bflag:$0x3] =	sbarrier.arrive $0xFFFF  }
0xb4: {  	_ =	shalt  }

</sc_bundles>
